<compile_context>
chip_gen: v7x
topology: tpu7x:2x2x1
jax: 0.10.2.dev20260603
libtpu: 0.0.44.dev20260713+nightly
codegen_flags: <defaults>
</compile_context>

<pallas_src>
import functools

import jax
import jax.numpy as jnp
from jax import lax
from jax.experimental import pallas as pl
from jax.experimental.pallas import tpu as pltpu
from jax.experimental.pallas import tpu_sc as plsc

NC = 2
NS = 16
CH = 88
ZR = 16


def _make_seg_sum(n_pad, n_feat, chunks_per_tile):
    rows_per_tile = n_pad // NS

    mesh = plsc.VectorSubcoreMesh(core_axis_name="c", subcore_axis_name="s")

    @functools.partial(
        pl.kernel,
        out_type=jax.ShapeDtypeStruct((NC, n_pad, n_feat), jnp.float32),
        mesh=mesh,
        scratch_types=[
            pltpu.VMEM_SHARED((n_pad, n_feat), jnp.float32),
            pltpu.VMEM((CH,), jnp.int32),
            pltpu.VMEM((CH,), jnp.int32),
            pltpu.VMEM((CH,), jnp.int32),
            pltpu.VMEM((CH,), jnp.int32),
            pltpu.VMEM((CH, n_feat), jnp.float32),
            pltpu.VMEM((CH, n_feat), jnp.float32),
            pltpu.SemaphoreType.DMA,
            pltpu.SemaphoreType.DMA,
            pltpu.SemaphoreType.DMA,
            pltpu.SemaphoreType.DMA,
        ],
    )
    def seg_sum(x_hbm, srcp_hbm, dstp_hbm, init_hbm, out_hbm, acc,
                srcv0, srcv1, dstv0, dstv1, rows0, rows1,
                sg0, sg1, si0, si1):
        c = lax.axis_index("c")
        s = lax.axis_index("s")
        w = s * NC + c
        r0 = pl.multiple_of(s * rows_per_tile, 8)
        ebase = pl.multiple_of(w * chunks_per_tile * CH, 8)

        pltpu.sync_copy(init_hbm.at[c, pl.ds(r0, rows_per_tile)],
                        acc.at[pl.ds(r0, rows_per_tile)])
        plsc.subcore_barrier()

        def fetch_idx(ck, sv, dv, sem):
            off = pl.multiple_of(ebase + ck * CH, 8)
            pltpu.async_copy(srcp_hbm.at[pl.ds(off, CH)], sv, sem)
            pltpu.async_copy(dstp_hbm.at[pl.ds(off, CH)], dv, sem)

        def iwait(sv, dv, sem):
            pltpu.make_async_copy(srcp_hbm.at[pl.ds(0, CH)], sv, sem).wait()
            pltpu.make_async_copy(dstp_hbm.at[pl.ds(0, CH)], dv, sem).wait()

        def gwait(rbuf, sem):
            pltpu.make_async_copy(x_hbm.at[srcv0], rbuf, sem).wait()

        fetch_idx(0, srcv0, dstv0, si0)
        iwait(srcv0, dstv0, si0)
        pltpu.async_copy(x_hbm.at[srcv0], rows0, sg0)
        fetch_idx(1, srcv1, dstv1, si1)
        n2 = chunks_per_tile // 2

        @pl.loop(0, n2)
        def _(j2):
            a = j2 * 2
            iwait(srcv1, dstv1, si1)
            pltpu.async_copy(x_hbm.at[srcv1], rows1, sg1)
            gwait(rows0, sg0)
            pltpu.sync_copy(rows0, acc.at[dstv0], add=True)

            @pl.when(j2 < n2 - 1)
            def _():
                fetch_idx(a + 2, srcv0, dstv0, si0)

            gwait(rows1, sg1)
            pltpu.sync_copy(rows1, acc.at[dstv1], add=True)

            @pl.when(j2 < n2 - 1)
            def _():
                iwait(srcv0, dstv0, si0)
                pltpu.async_copy(x_hbm.at[srcv0], rows0, sg0)
                fetch_idx(a + 3, srcv1, dstv1, si1)

        plsc.subcore_barrier()
        pltpu.sync_copy(acc.at[pl.ds(r0, rows_per_tile)],
                        out_hbm.at[c, pl.ds(r0, rows_per_tile)])

    return seg_sum


def _dense_body(agg_ref, x_ref, w1a_ref, w1b_ref, b1_ref, w2a_ref, w2b_ref,
                b2_ref, p_ref, q_ref):
    agg = agg_ref[0] + agg_ref[1]
    h = jnp.dot(agg, w1a_ref[...], preferred_element_type=jnp.float32)
    h = h + jnp.dot(x_ref[...], w1b_ref[...], preferred_element_type=jnp.float32)
    h = jnp.maximum(h + b1_ref[...], 0.0)
    p_ref[...] = jnp.dot(h, w2a_ref[...], preferred_element_type=jnp.float32)
    q_ref[...] = (jnp.dot(h, w2b_ref[...], preferred_element_type=jnp.float32)
                  + b2_ref[...])


def _make_combine(n_cls):
    def _combine_body(parts_ref, out_ref):
        out_ref[...] = (parts_ref[0, :, :n_cls] + parts_ref[1, :, :n_cls])
    return _combine_body


def kernel(x, edge_index, W1_rel, b1, W1_root, W2_rel, b2, W2_root):
    n_nodes, d_feat = x.shape
    n_edges = edge_index.shape[1]
    d_hid = W1_rel.shape[0]
    n_cls = W2_rel.shape[0]
    cls_pad = 128

    ei = edge_index.astype(jnp.int32)
    src, dst = ei[0], ei[1]

    workers = NC * NS
    ept = -(-n_edges // workers)
    cpt = -(-ept // CH)
    cpt += cpt % 2
    ept_p = cpt * CH
    ppt = ept_p - ept

    want_rows = max(NS * min(ppt, 32), 1)
    n_pad = ((n_nodes + want_rows + 127) // 128) * 128
    avail = n_pad - n_nodes
    pr = max(1, min(ppt, avail // NS))

    tail = workers * ept - n_edges
    src_a = jnp.concatenate(
        [src, jnp.zeros((tail,), jnp.int32)]).reshape(workers, ept)
    dst_tail = n_nodes + jnp.arange(tail, dtype=jnp.int32) % avail
    dst_a = jnp.concatenate([dst, dst_tail]).reshape(workers, ept)

    sub = jnp.arange(workers, dtype=jnp.int32) // NC
    pad_rows = (n_nodes + sub[:, None] * pr
                + jnp.arange(ppt, dtype=jnp.int32)[None, :] % pr)
    pad_srcs = ((jnp.arange(workers, dtype=jnp.int32)[:, None] * 601
                 + jnp.arange(ppt, dtype=jnp.int32)[None, :] * 7) % n_nodes)
    srcp = jnp.concatenate([src_a, pad_srcs], axis=1).reshape(-1)
    dstp = jnp.concatenate([dst_a, pad_rows], axis=1).reshape(-1)

    seg1 = _make_seg_sum(n_pad, d_feat, cpt)
    init1 = jnp.zeros((NC, n_pad, d_feat), jnp.float32)
    agg1 = seg1(x, srcp, dstp, init1)

    w1a = W1_rel.T
    w1b = W1_root.T
    w2a = jnp.zeros((d_hid, cls_pad), jnp.float32).at[:, :n_cls].set(W2_rel.T)
    w2b = jnp.zeros((d_hid, cls_pad), jnp.float32).at[:, :n_cls].set(W2_root.T)
    b2p = jnp.zeros((1, cls_pad), jnp.float32).at[0, :n_cls].set(b2)

    tn = 1000
    grid = (n_nodes // tn,)
    p, q = pl.pallas_call(
        _dense_body,
        grid=grid,
        in_specs=[
            pl.BlockSpec((NC, tn, d_feat), lambda i: (0, i, 0)),
            pl.BlockSpec((tn, d_feat), lambda i: (i, 0)),
            pl.BlockSpec((d_feat, d_hid), lambda i: (0, 0)),
            pl.BlockSpec((d_feat, d_hid), lambda i: (0, 0)),
            pl.BlockSpec((1, d_hid), lambda i: (0, 0)),
            pl.BlockSpec((d_hid, cls_pad), lambda i: (0, 0)),
            pl.BlockSpec((d_hid, cls_pad), lambda i: (0, 0)),
            pl.BlockSpec((1, cls_pad), lambda i: (0, 0)),
        ],
        out_specs=[
            pl.BlockSpec((tn, cls_pad), lambda i: (i, 0)),
            pl.BlockSpec((tn, cls_pad), lambda i: (i, 0)),
        ],
        out_shape=[
            jax.ShapeDtypeStruct((n_nodes, cls_pad), jnp.float32),
            jax.ShapeDtypeStruct((n_nodes, cls_pad), jnp.float32),
        ],
    )(agg1, x, w1a, w1b, b1.reshape(1, -1), w2a, w2b, b2p)

    seg2 = _make_seg_sum(n_pad, cls_pad, cpt)
    init2 = jnp.zeros((NC, n_pad, cls_pad), jnp.float32).at[0, :n_nodes].set(q)
    agg2 = seg2(p, srcp, dstp, init2)

    out = pl.pallas_call(
        _make_combine(n_cls),
        grid=grid,
        in_specs=[pl.BlockSpec((NC, tn, cls_pad), lambda i: (0, i, 0))],
        out_specs=pl.BlockSpec((tn, n_cls), lambda i: (i, 0)),
        out_shape=jax.ShapeDtypeStruct((n_nodes, n_cls), jnp.float32),
    )(agg2)
    return out

# --- scband reference (transcript-rebuilt; emitter-appended) ---
"""Pipeline reference for scband-graph-conv-net-32512902431422 (READ-ONLY COPY).

The authoritative reference and input builder live on the scoring server;
editing this copy changes nothing except your own understanding.
"""

import jax, jax.numpy as jnp
import numpy as np

N_NODES = 10000
N_EDGES = 320000
D_FEAT = 128
D_HID = 256
N_CLASSES = 40


def setup_inputs(seed: int = 0) -> dict:
    key = jax.random.key(seed)
    k_x, k_e, k1, k2, k3, k4, k5 = jax.random.split(key, 7)
    x = jax.random.normal(k_x, (N_NODES, D_FEAT), dtype=jnp.float32)
    edge_index = jax.random.randint(k_e, (2, N_EDGES), 0, N_NODES, dtype=jnp.int64)
    # GraphConv layer 1 params (PyG GraphConv: lin_rel has bias, lin_root no bias)
    s1 = 1.0 / np.sqrt(D_FEAT)
    W1_rel = jax.random.uniform(k1, (D_HID, D_FEAT), minval=-s1, maxval=s1, dtype=jnp.float32)
    b1 = jnp.zeros((D_HID,), dtype=jnp.float32)
    W1_root = jax.random.uniform(k2, (D_HID, D_FEAT), minval=-s1, maxval=s1, dtype=jnp.float32)
    # GraphConv layer 2 params
    s2 = 1.0 / np.sqrt(D_HID)
    W2_rel = jax.random.uniform(k3, (N_CLASSES, D_HID), minval=-s2, maxval=s2, dtype=jnp.float32)
    b2 = jnp.zeros((N_CLASSES,), dtype=jnp.float32)
    W2_root = jax.random.uniform(k4, (N_CLASSES, D_HID), minval=-s2, maxval=s2, dtype=jnp.float32)
    return {"x": x, "edge_index": edge_index, "W1_rel": W1_rel, "b1": b1,
            "W1_root": W1_root, "W2_rel": W2_rel, "b2": b2, "W2_root": W2_root}


def _graph_conv(x, edge_index, W_rel, b_rel, W_root):
    # PyG GraphConv with aggr='add':
    # out = lin_rel(sum_{j in N(i)} x_j) + lin_root(x_i)
    src = edge_index[0]
    dst = edge_index[1]
    msg = jnp.take(x, src, axis=0)  # gather source node features [E, d]
    agg = jax.ops.segment_sum(msg, dst, num_segments=x.shape[0])  # scatter-add to dst
    return agg @ W_rel.T + b_rel + x @ W_root.T


def reference(x, edge_index, W1_rel, b1, W1_root, W2_rel, b2, W2_root):
    h = _graph_conv(x, edge_index, W1_rel, b1, W1_root)
    h = jax.nn.relu(h)
    # dropout p=0.5 is identity in eval mode (self.training == False)
    out = _graph_conv(h, edge_index, W2_rel, b2, W2_root)
    return out

if __name__ == "__main__":
    import jax
    _d = setup_inputs()
    print(jax.jit(kernel)(*tuple(_d.values())))

</pallas_src>

<mosaic_0001>
#map = affine_map<(d0, d1) -> (0, 0)>
#map1 = affine_map<(d0, d1) -> (0)>
#map2 = affine_map<(d0, d1) -> (0, 0, 0)>
module attributes {stable_mosaic.version = 14 : i64} {
  func.func @seg_sum(%arg0: i32, %arg1: i32, %arg2: memref<10000x128xf32, #tpu.memory_space<hbm>>, %arg3: memref<321024xi32, #tpu.memory_space<hbm>>, %arg4: memref<321024xi32, #tpu.memory_space<hbm>>, %arg5: memref<2x10624x128xf32, #tpu.memory_space<hbm>>, %arg6: memref<2x10624x128xf32, #tpu.memory_space<hbm>>, %arg7: memref<10624x128xf32, #tpu.memory_space<vmem_shared>>, %arg8: memref<88xi32, #tpu.memory_space<vmem>>, %arg9: memref<88xi32, #tpu.memory_space<vmem>>, %arg10: memref<88xi32, #tpu.memory_space<vmem>>, %arg11: memref<88xi32, #tpu.memory_space<vmem>>, %arg12: memref<88x128xf32, #tpu.memory_space<vmem>>, %arg13: memref<88x128xf32, #tpu.memory_space<vmem>>, %arg14: memref<!tpu.dma_semaphore, #tpu.memory_space<semaphore_mem>>, %arg15: memref<!tpu.dma_semaphore, #tpu.memory_space<semaphore_mem>>, %arg16: memref<!tpu.dma_semaphore, #tpu.memory_space<semaphore_mem>>, %arg17: memref<!tpu.dma_semaphore, #tpu.memory_space<semaphore_mem>>) attributes {dimension_semantics = [#tpu.dimension_semantics<core_parallel>, #tpu.dimension_semantics<subcore_parallel>], iteration_bounds = array<i64: 2, 16>, scalar_prefetch = 0 : i64, scratch_operands = 11 : i64, tpu.core_type = #tpu.core_type<sc_vector_subcore>, window_params = [{transform_indices = #map}, {transform_indices = #map1}, {transform_indices = #map1}, {transform_indices = #map2}, {transform_indices = #map2}]} {
    %mul3A = arith.constant 2 : i32
    %mul3A_0 = arith.muli %arg1, %mul3A : i32
    %add3A = arith.addi %mul3A_0, %arg0 : i32
    %mul3A_1 = arith.constant 664 : i32
    %mul3A_2 = arith.muli %arg1, %mul3A_1 : i32
    %multiple_of3A = tpu.assume_multiple %mul3A_2, 8 : i32
    %mul3A_3 = arith.constant 114 : i32
    %mul3A_4 = arith.muli %add3A, %mul3A_3 : i32
    %mul3A_5 = arith.constant 88 : i32
    %mul3A_6 = arith.muli %mul3A_4, %mul3A_5 : i32
    %multiple_of3A_7 = tpu.assume_multiple %mul3A_6, 8 : i32
    "tpu.region"() ({
      %run_scoped3A = tpu.sem_alloc : memref<!tpu.dma_semaphore, #tpu.memory_space<semaphore_mem>>
      %dma_start3A_36 = arith.constant 0 : i32
      %dma_start3A_37 = tpu.memref_slice %arg7[%multiple_of3A, %dma_start3A_36] : memref<10624x128xf32, #tpu.memory_space<vmem_shared>> -> memref<664x128xf32, #tpu.memory_space<vmem_shared>>
      %dma_start3A_38 = arith.constant 0 : i32
      %dma_start3A_39 = tpu.memref_slice %arg5[%arg0, %multiple_of3A, %dma_start3A_38] : memref<2x10624x128xf32, #tpu.memory_space<hbm>> -> memref<1x664x128xf32, #tpu.memory_space<hbm>>
      %dma_start3A_40 = tpu.memref_squeeze %dma_start3A_39 : memref<1x664x128xf32, #tpu.memory_space<hbm>> -> memref<664x128xf32, #tpu.memory_space<hbm>>
      tpu.enqueue_dma source(%dma_start3A_40 : memref<664x128xf32, #tpu.memory_space<hbm>>) target(%dma_start3A_37 : memref<664x128xf32, #tpu.memory_space<vmem_shared>>) target_semaphore(%run_scoped3A : memref<!tpu.dma_semaphore, #tpu.memory_space<semaphore_mem>>)
      %dma_wait3A_41 = arith.constant 0 : i32
      %dma_wait3A_42 = tpu.memref_slice %arg7[%multiple_of3A, %dma_wait3A_41] : memref<10624x128xf32, #tpu.memory_space<vmem_shared>> -> memref<664x128xf32, #tpu.memory_space<vmem_shared>>
      %dma_wait3A_43 = arith.constant 0 : i32
      %dma_wait3A_44 = tpu.memref_slice %arg5[%arg0, %multiple_of3A, %dma_wait3A_43] : memref<2x10624x128xf32, #tpu.memory_space<hbm>> -> memref<1x664x128xf32, #tpu.memory_space<hbm>>
      %dma_wait3A_45 = tpu.memref_squeeze %dma_wait3A_44 : memref<1x664x128xf32, #tpu.memory_space<hbm>> -> memref<664x128xf32, #tpu.memory_space<hbm>>
      tpu.wait_dma2 semaphore(%run_scoped3A : memref<!tpu.dma_semaphore, #tpu.memory_space<semaphore_mem>>) src(%dma_wait3A_45 : memref<664x128xf32, #tpu.memory_space<hbm>>) dst(%dma_wait3A_42 : memref<664x128xf32, #tpu.memory_space<vmem_shared>>)
      tpu.yield
    }) : () -> ()
    %barrier3A = arith.constant 0 : index
    tpu.barrier barrier_id(%barrier3A)
    %add3A_8 = arith.constant 0 : i32
    %add3A_9 = arith.addi %multiple_of3A_7, %add3A_8 : i32
    %multiple_of3A_10 = tpu.assume_multiple %add3A_9, 8 : i32
    %dma_start3A = tpu.memref_slice %arg3[%multiple_of3A_10] : memref<321024xi32, #tpu.memory_space<hbm>> -> memref<88xi32, #tpu.memory_space<hbm>>
    %dma_start3A_11 = tpu.memref_slice %arg3[%multiple_of3A_10] : memref<321024xi32, #tpu.memory_space<hbm>> -> memref<88xi32, #tpu.memory_space<hbm>>
    tpu.enqueue_dma source(%dma_start3A_11 : memref<88xi32, #tpu.memory_space<hbm>>) target(%arg8 : memref<88xi32, #tpu.memory_space<vmem>>) target_semaphore(%arg16 : memref<!tpu.dma_semaphore, #tpu.memory_space<semaphore_mem>>)
    %dma_start3A_12 = tpu.memref_slice %arg4[%multiple_of3A_10] : memref<321024xi32, #tpu.memory_space<hbm>> -> memref<88xi32, #tpu.memory_space<hbm>>
    %dma_start3A_13 = tpu.memref_slice %arg4[%multiple_of3A_10] : memref<321024xi32, #tpu.memory_space<hbm>> -> memref<88xi32, #tpu.memory_space<hbm>>
    tpu.enqueue_dma source(%dma_start3A_13 : memref<88xi32, #tpu.memory_space<hbm>>) target(%arg10 : memref<88xi32, #tpu.memory_space<vmem>>) target_semaphore(%arg16 : memref<!tpu.dma_semaphore, #tpu.memory_space<semaphore_mem>>)
    %dma_wait3A = arith.constant 0 : i32
    %dma_wait3A_14 = tpu.memref_slice %arg3[%dma_wait3A] : memref<321024xi32, #tpu.memory_space<hbm>> -> memref<88xi32, #tpu.memory_space<hbm>>
    %dma_wait3A_15 = arith.constant 0 : i32
    %dma_wait3A_16 = tpu.memref_slice %arg3[%dma_wait3A_15] : memref<321024xi32, #tpu.memory_space<hbm>> -> memref<88xi32, #tpu.memory_space<hbm>>
    tpu.wait_dma2 semaphore(%arg16 : memref<!tpu.dma_semaphore, #tpu.memory_space<semaphore_mem>>) src(%dma_wait3A_16 : memref<88xi32, #tpu.memory_space<hbm>>) dst(%arg8 : memref<88xi32, #tpu.memory_space<vmem>>)
    %dma_wait3A_17 = arith.constant 0 : i32
    %dma_wait3A_18 = tpu.memref_slice %arg4[%dma_wait3A_17] : memref<321024xi32, #tpu.memory_space<hbm>> -> memref<88xi32, #tpu.memory_space<hbm>>
    %dma_wait3A_19 = arith.constant 0 : i32
    %dma_wait3A_20 = tpu.memref_slice %arg4[%dma_wait3A_19] : memref<321024xi32, #tpu.memory_space<hbm>> -> memref<88xi32, #tpu.memory_space<hbm>>
    tpu.wait_dma2 semaphore(%arg16 : memref<!tpu.dma_semaphore, #tpu.memory_space<semaphore_mem>>) src(%dma_wait3A_20 : memref<88xi32, #tpu.memory_space<hbm>>) dst(%arg10 : memref<88xi32, #tpu.memory_space<vmem>>)
    %dma_start3A_21 = arith.constant 0 : i32
    %dma_start3A_22 = arith.constant 0 : i32
    %dma_start3A_23 = tpu.memref_slice %arg2[%dma_start3A_21, %dma_start3A_22] : memref<10000x128xf32, #tpu.memory_space<hbm>> -> memref<10000x128xf32, #tpu.memory_space<hbm>>
    tpu.enqueue_indirect_dma source(%dma_start3A_23 : memref<10000x128xf32, #tpu.memory_space<hbm>>) target(%arg12 : memref<88x128xf32, #tpu.memory_space<vmem>>) offsets(%arg8 : memref<88xi32, #tpu.memory_space<vmem>>) semaphore(%arg14 : memref<!tpu.dma_semaphore, #tpu.memory_space<semaphore_mem>>)
    %add3A_24 = arith.constant 88 : i32
    %add3A_25 = arith.addi %multiple_of3A_7, %add3A_24 : i32
    %multiple_of3A_26 = tpu.assume_multiple %add3A_25, 8 : i32
    %dma_start3A_27 = tpu.memref_slice %arg3[%multiple_of3A_26] : memref<321024xi32, #tpu.memory_space<hbm>> -> memref<88xi32, #tpu.memory_space<hbm>>
    %dma_start3A_28 = tpu.memref_slice %arg3[%multiple_of3A_26] : memref<321024xi32, #tpu.memory_space<hbm>> -> memref<88xi32, #tpu.memory_space<hbm>>
    tpu.enqueue_dma source(%dma_start3A_28 : memref<88xi32, #tpu.memory_space<hbm>>) target(%arg9 : memref<88xi32, #tpu.memory_space<vmem>>) target_semaphore(%arg17 : memref<!tpu.dma_semaphore, #tpu.memory_space<semaphore_mem>>)
    %dma_start3A_29 = tpu.memref_slice %arg4[%multiple_of3A_26] : memref<321024xi32, #tpu.memory_space<hbm>> -> memref<88xi32, #tpu.memory_space<hbm>>
    %dma_start3A_30 = tpu.memref_slice %arg4[%multiple_of3A_26] : memref<321024xi32, #tpu.memory_space<hbm>> -> memref<88xi32, #tpu.memory_space<hbm>>
    tpu.enqueue_dma source(%dma_start3A_30 : memref<88xi32, #tpu.memory_space<hbm>>) target(%arg11 : memref<88xi32, #tpu.memory_space<vmem>>) target_semaphore(%arg17 : memref<!tpu.dma_semaphore, #tpu.memory_space<semaphore_mem>>)
    %scan3A = arith.constant 0 : i32
    %scan3A_31 = arith.constant 57 : i32
    %scan3A_32 = arith.addi %scan3A, %scan3A_31 : i32
    %scan3A_33 = arith.constant 1 : i32
    scf.for %scan3A_36 = %scan3A to %scan3A_32 step %scan3A_33  : i32 {
      %mul3A_37 = arith.constant 1 : i32
      %mul3A_38 = arith.muli %scan3A_36, %mul3A_37 : i32
      %add3A_39 = arith.constant 0 : i32
      %add3A_40 = arith.addi %add3A_39, %mul3A_38 : i32
      %mul3A_41 = arith.constant 2 : i32
      %mul3A_42 = arith.muli %add3A_40, %mul3A_41 : i32
      %dma_wait3A_43 = arith.constant 0 : i32
      %dma_wait3A_44 = tpu.memref_slice %arg3[%dma_wait3A_43] : memref<321024xi32, #tpu.memory_space<hbm>> -> memref<88xi32, #tpu.memory_space<hbm>>
      %dma_wait3A_45 = arith.constant 0 : i32
      %dma_wait3A_46 = tpu.memref_slice %arg3[%dma_wait3A_45] : memref<321024xi32, #tpu.memory_space<hbm>> -> memref<88xi32, #tpu.memory_space<hbm>>
      tpu.wait_dma2 semaphore(%arg17 : memref<!tpu.dma_semaphore, #tpu.memory_space<semaphore_mem>>) src(%dma_wait3A_46 : memref<88xi32, #tpu.memory_space<hbm>>) dst(%arg9 : memref<88xi32, #tpu.memory_space<vmem>>)
      %dma_wait3A_47 = arith.constant 0 : i32
      %dma_wait3A_48 = tpu.memref_slice %arg4[%dma_wait3A_47] : memref<321024xi32, #tpu.memory_space<hbm>> -> memref<88xi32, #tpu.memory_space<hbm>>
      %dma_wait3A_49 = arith.constant 0 : i32
      %dma_wait3A_50 = tpu.memref_slice %arg4[%dma_wait3A_49] : memref<321024xi32, #tpu.memory_space<hbm>> -> memref<88xi32, #tpu.memory_space<hbm>>
      tpu.wait_dma2 semaphore(%arg17 : memref<!tpu.dma_semaphore, #tpu.memory_space<semaphore_mem>>) src(%dma_wait3A_50 : memref<88xi32, #tpu.memory_space<hbm>>) dst(%arg11 : memref<88xi32, #tpu.memory_space<vmem>>)
      %dma_start3A_51 = arith.constant 0 : i32
      %dma_start3A_52 = arith.constant 0 : i32
      %dma_start3A_53 = tpu.memref_slice %arg2[%dma_start3A_51, %dma_start3A_52] : memref<10000x128xf32, #tpu.memory_space<hbm>> -> memref<10000x128xf32, #tpu.memory_space<hbm>>
      tpu.enqueue_indirect_dma source(%dma_start3A_53 : memref<10000x128xf32, #tpu.memory_space<hbm>>) target(%arg13 : memref<88x128xf32, #tpu.memory_space<vmem>>) offsets(%arg9 : memref<88xi32, #tpu.memory_space<vmem>>) semaphore(%arg15 : memref<!tpu.dma_semaphore, #tpu.memory_space<semaphore_mem>>)
      %dma_wait3A_54 = arith.constant 0 : i32
      %dma_wait3A_55 = arith.constant 0 : i32
      %dma_wait3A_56 = tpu.memref_slice %arg2[%dma_wait3A_54, %dma_wait3A_55] : memref<10000x128xf32, #tpu.memory_space<hbm>> -> memref<10000x128xf32, #tpu.memory_space<hbm>>
      tpu.wait_indirect_dma semaphore(%arg14 : memref<!tpu.dma_semaphore, #tpu.memory_space<semaphore_mem>>) src(%dma_wait3A_56 : memref<10000x128xf32, #tpu.memory_space<hbm>>) dst(%arg12 : memref<88x128xf32, #tpu.memory_space<vmem>>)
      "tpu.region"() ({
        %run_scoped3A = tpu.sem_alloc : memref<!tpu.dma_semaphore, #tpu.memory_space<semaphore_mem>>
        %dma_start3A_67 = arith.constant 0 : i32
        %dma_start3A_68 = arith.constant 0 : i32
        %dma_start3A_69 = tpu.memref_slice %arg7[%dma_start3A_67, %dma_start3A_68] : memref<10624x128xf32, #tpu.memory_space<vmem_shared>> -> memref<10624x128xf32, #tpu.memory_space<vmem_shared>>
        tpu.enqueue_indirect_dma source(%arg12 : memref<88x128xf32, #tpu.memory_space<vmem>>) target(%dma_start3A_69 : memref<10624x128xf32, #tpu.memory_space<vmem_shared>>) offsets(%arg10 : memref<88xi32, #tpu.memory_space<vmem>>) semaphore(%run_scoped3A : memref<!tpu.dma_semaphore, #tpu.memory_space<semaphore_mem>>) {add = true}
        %dma_wait3A_70 = arith.constant 0 : i32
        %dma_wait3A_71 = arith.constant 0 : i32
        %dma_wait3A_72 = tpu.memref_slice %arg7[%dma_wait3A_70, %dma_wait3A_71] : memref<10624x128xf32, #tpu.memory_space<vmem_shared>> -> memref<10624x128xf32, #tpu.memory_space<vmem_shared>>
        tpu.wait_indirect_dma semaphore(%run_scoped3A : memref<!tpu.dma_semaphore, #tpu.memory_space<semaphore_mem>>) src(%arg12 : memref<88x128xf32, #tpu.memory_space<vmem>>) dst(%dma_wait3A_72 : memref<10624x128xf32, #tpu.memory_space<vmem_shared>>)
        tpu.yield
      }) : () -> ()
      %lt3A = arith.constant 56 : i32
      %lt3A_57 = arith.cmpi slt, %add3A_40, %lt3A : i32
      %convert_element_type3A = arith.extui %lt3A_57 : i1 to i32
      %cond3A = arith.constant 0 : i32
      %cond3A_58 = arith.cmpi ne, %convert_element_type3A, %cond3A : i32
      scf.if %cond3A_58 {
        %add3A_67 = arith.constant 2 : i32
        %add3A_68 = arith.addi %mul3A_42, %add3A_67 : i32
        %mul3A_69 = arith.constant 88 : i32
        %mul3A_70 = arith.muli %add3A_68, %mul3A_69 : i32
        %add3A_71 = arith.addi %multiple_of3A_7, %mul3A_70 : i32
        %multiple_of3A_72 = tpu.assume_multiple %add3A_71, 8 : i32
        %dma_start3A_73 = tpu.memref_slice %arg3[%multiple_of3A_72] : memref<321024xi32, #tpu.memory_space<hbm>> -> memref<88xi32, #tpu.memory_space<hbm>>
        %dma_start3A_74 = tpu.memref_slice %arg3[%multiple_of3A_72] : memref<321024xi32, #tpu.memory_space<hbm>> -> memref<88xi32, #tpu.memory_space<hbm>>
        tpu.enqueue_dma source(%dma_start3A_74 : memref<88xi32, #tpu.memory_space<hbm>>) target(%arg8 : memref<88xi32, #tpu.memory_space<vmem>>) target_semaphore(%arg16 : memref<!tpu.dma_semaphore, #tpu.memory_space<semaphore_mem>>)
        %dma_start3A_75 = tpu.memref_slice %arg4[%multiple_of3A_72] : memref<321024xi32, #tpu.memory_space<hbm>> -> memref<88xi32, #tpu.memory_space<hbm>>
        %dma_start3A_76 = tpu.memref_slice %arg4[%multiple_of3A_72] : memref<321024xi32, #tpu.memory_space<hbm>> -> memref<88xi32, #tpu.memory_space<hbm>>
        tpu.enqueue_dma source(%dma_start3A_76 : memref<88xi32, #tpu.memory_space<hbm>>) target(%arg10 : memref<88xi32, #tpu.memory_space<vmem>>) target_semaphore(%arg16 : memref<!tpu.dma_semaphore, #tpu.memory_space<semaphore_mem>>)
      } else {
      }
      %dma_wait3A_59 = arith.constant 0 : i32
      %dma_wait3A_60 = arith.constant 0 : i32
      %dma_wait3A_61 = tpu.memref_slice %arg2[%dma_wait3A_59, %dma_wait3A_60] : memref<10000x128xf32, #tpu.memory_space<hbm>> -> memref<10000x128xf32, #tpu.memory_space<hbm>>
      tpu.wait_indirect_dma semaphore(%arg15 : memref<!tpu.dma_semaphore, #tpu.memory_space<semaphore_mem>>) src(%dma_wait3A_61 : memref<10000x128xf32, #tpu.memory_space<hbm>>) dst(%arg13 : memref<88x128xf32, #tpu.memory_space<vmem>>)
      "tpu.region"() ({
        %run_scoped3A = tpu.sem_alloc : memref<!tpu.dma_semaphore, #tpu.memory_space<semaphore_mem>>
        %dma_start3A_67 = arith.constant 0 : i32
        %dma_start3A_68 = arith.constant 0 : i32
        %dma_start3A_69 = tpu.memref_slice %arg7[%dma_start3A_67, %dma_start3A_68] : memref<10624x128xf32, #tpu.memory_space<vmem_shared>> -> memref<10624x128xf32, #tpu.memory_space<vmem_shared>>
        tpu.enqueue_indirect_dma source(%arg13 : memref<88x128xf32, #tpu.memory_space<vmem>>) target(%dma_start3A_69 : memref<10624x128xf32, #tpu.memory_space<vmem_shared>>) offsets(%arg11 : memref<88xi32, #tpu.memory_space<vmem>>) semaphore(%run_scoped3A : memref<!tpu.dma_semaphore, #tpu.memory_space<semaphore_mem>>) {add = true}
        %dma_wait3A_70 = arith.constant 0 : i32
        %dma_wait3A_71 = arith.constant 0 : i32
        %dma_wait3A_72 = tpu.memref_slice %arg7[%dma_wait3A_70, %dma_wait3A_71] : memref<10624x128xf32, #tpu.memory_space<vmem_shared>> -> memref<10624x128xf32, #tpu.memory_space<vmem_shared>>
        tpu.wait_indirect_dma semaphore(%run_scoped3A : memref<!tpu.dma_semaphore, #tpu.memory_space<semaphore_mem>>) src(%arg13 : memref<88x128xf32, #tpu.memory_space<vmem>>) dst(%dma_wait3A_72 : memref<10624x128xf32, #tpu.memory_space<vmem_shared>>)
        tpu.yield
      }) : () -> ()
      %lt3A_62 = arith.constant 56 : i32
      %lt3A_63 = arith.cmpi slt, %add3A_40, %lt3A_62 : i32
      %convert_element_type3A_64 = arith.extui %lt3A_63 : i1 to i32
      %cond3A_65 = arith.constant 0 : i32
      %cond3A_66 = arith.cmpi ne, %convert_element_type3A_64, %cond3A_65 : i32
      scf.if %cond3A_66 {
        %dma_wait3A_67 = arith.constant 0 : i32
        %dma_wait3A_68 = tpu.memref_slice %arg3[%dma_wait3A_67] : memref<321024xi32, #tpu.memory_space<hbm>> -> memref<88xi32, #tpu.memory_space<hbm>>
        %dma_wait3A_69 = arith.constant 0 : i32
        %dma_wait3A_70 = tpu.memref_slice %arg3[%dma_wait3A_69] : memref<321024xi32, #tpu.memory_space<hbm>> -> memref<88xi32, #tpu.memory_space<hbm>>
        tpu.wait_dma2 semaphore(%arg16 : memref<!tpu.dma_semaphore, #tpu.memory_space<semaphore_mem>>) src(%dma_wait3A_70 : memref<88xi32, #tpu.memory_space<hbm>>) dst(%arg8 : memref<88xi32, #tpu.memory_space<vmem>>)
        %dma_wait3A_71 = arith.constant 0 : i32
        %dma_wait3A_72 = tpu.memref_slice %arg4[%dma_wait3A_71] : memref<321024xi32, #tpu.memory_space<hbm>> -> memref<88xi32, #tpu.memory_space<hbm>>
        %dma_wait3A_73 = arith.constant 0 : i32
        %dma_wait3A_74 = tpu.memref_slice %arg4[%dma_wait3A_73] : memref<321024xi32, #tpu.memory_space<hbm>> -> memref<88xi32, #tpu.memory_space<hbm>>
        tpu.wait_dma2 semaphore(%arg16 : memref<!tpu.dma_semaphore, #tpu.memory_space<semaphore_mem>>) src(%dma_wait3A_74 : memref<88xi32, #tpu.memory_space<hbm>>) dst(%arg10 : memref<88xi32, #tpu.memory_space<vmem>>)
        %dma_start3A_75 = arith.constant 0 : i32
        %dma_start3A_76 = arith.constant 0 : i32
        %dma_start3A_77 = tpu.memref_slice %arg2[%dma_start3A_75, %dma_start3A_76] : memref<10000x128xf32, #tpu.memory_space<hbm>> -> memref<10000x128xf32, #tpu.memory_space<hbm>>
        tpu.enqueue_indirect_dma source(%dma_start3A_77 : memref<10000x128xf32, #tpu.memory_space<hbm>>) target(%arg12 : memref<88x128xf32, #tpu.memory_space<vmem>>) offsets(%arg8 : memref<88xi32, #tpu.memory_space<vmem>>) semaphore(%arg14 : memref<!tpu.dma_semaphore, #tpu.memory_space<semaphore_mem>>)
        %add3A_78 = arith.constant 3 : i32
        %add3A_79 = arith.addi %mul3A_42, %add3A_78 : i32
        %mul3A_80 = arith.constant 88 : i32
        %mul3A_81 = arith.muli %add3A_79, %mul3A_80 : i32
        %add3A_82 = arith.addi %multiple_of3A_7, %mul3A_81 : i32
        %multiple_of3A_83 = tpu.assume_multiple %add3A_82, 8 : i32
        %dma_start3A_84 = tpu.memref_slice %arg3[%multiple_of3A_83] : memref<321024xi32, #tpu.memory_space<hbm>> -> memref<88xi32, #tpu.memory_space<hbm>>
        %dma_start3A_85 = tpu.memref_slice %arg3[%multiple_of3A_83] : memref<321024xi32, #tpu.memory_space<hbm>> -> memref<88xi32, #tpu.memory_space<hbm>>
        tpu.enqueue_dma source(%dma_start3A_85 : memref<88xi32, #tpu.memory_space<hbm>>) target(%arg9 : memref<88xi32, #tpu.memory_space<vmem>>) target_semaphore(%arg17 : memref<!tpu.dma_semaphore, #tpu.memory_space<semaphore_mem>>)
        %dma_start3A_86 = tpu.memref_slice %arg4[%multiple_of3A_83] : memref<321024xi32, #tpu.memory_space<hbm>> -> memref<88xi32, #tpu.memory_space<hbm>>
        %dma_start3A_87 = tpu.memref_slice %arg4[%multiple_of3A_83] : memref<321024xi32, #tpu.memory_space<hbm>> -> memref<88xi32, #tpu.memory_space<hbm>>
        tpu.enqueue_dma source(%dma_start3A_87 : memref<88xi32, #tpu.memory_space<hbm>>) target(%arg11 : memref<88xi32, #tpu.memory_space<vmem>>) target_semaphore(%arg17 : memref<!tpu.dma_semaphore, #tpu.memory_space<semaphore_mem>>)
      } else {
      }
    }
    %scan3A_34 = arith.constant 57 : i32
    %barrier3A_35 = arith.constant 0 : index
    tpu.barrier barrier_id(%barrier3A_35)
    "tpu.region"() ({
      %run_scoped3A = tpu.sem_alloc : memref<!tpu.dma_semaphore, #tpu.memory_space<semaphore_mem>>
      %dma_start3A_36 = arith.constant 0 : i32
      %dma_start3A_37 = tpu.memref_slice %arg6[%arg0, %multiple_of3A, %dma_start3A_36] : memref<2x10624x128xf32, #tpu.memory_space<hbm>> -> memref<1x664x128xf32, #tpu.memory_space<hbm>>
      %dma_start3A_38 = tpu.memref_squeeze %dma_start3A_37 : memref<1x664x128xf32, #tpu.memory_space<hbm>> -> memref<664x128xf32, #tpu.memory_space<hbm>>
      %dma_start3A_39 = arith.constant 0 : i32
      %dma_start3A_40 = tpu.memref_slice %arg7[%multiple_of3A, %dma_start3A_39] : memref<10624x128xf32, #tpu.memory_space<vmem_shared>> -> memref<664x128xf32, #tpu.memory_space<vmem_shared>>
      tpu.enqueue_dma source(%dma_start3A_40 : memref<664x128xf32, #tpu.memory_space<vmem_shared>>) target(%dma_start3A_38 : memref<664x128xf32, #tpu.memory_space<hbm>>) target_semaphore(%run_scoped3A : memref<!tpu.dma_semaphore, #tpu.memory_space<semaphore_mem>>)
      %dma_wait3A_41 = arith.constant 0 : i32
      %dma_wait3A_42 = tpu.memref_slice %arg6[%arg0, %multiple_of3A, %dma_wait3A_41] : memref<2x10624x128xf32, #tpu.memory_space<hbm>> -> memref<1x664x128xf32, #tpu.memory_space<hbm>>
      %dma_wait3A_43 = tpu.memref_squeeze %dma_wait3A_42 : memref<1x664x128xf32, #tpu.memory_space<hbm>> -> memref<664x128xf32, #tpu.memory_space<hbm>>
      %dma_wait3A_44 = arith.constant 0 : i32
      %dma_wait3A_45 = tpu.memref_slice %arg7[%multiple_of3A, %dma_wait3A_44] : memref<10624x128xf32, #tpu.memory_space<vmem_shared>> -> memref<664x128xf32, #tpu.memory_space<vmem_shared>>
      tpu.wait_dma2 semaphore(%run_scoped3A : memref<!tpu.dma_semaphore, #tpu.memory_space<semaphore_mem>>) src(%dma_wait3A_45 : memref<664x128xf32, #tpu.memory_space<vmem_shared>>) dst(%dma_wait3A_43 : memref<664x128xf32, #tpu.memory_space<hbm>>)
      tpu.yield
    }) : () -> ()
    return
  }
}

#map = affine_map<(d0, d1) -> (0, 0)>
#map1 = affine_map<(d0, d1) -> (0)>
#map2 = affine_map<(d0, d1) -> (0, 0, 0)>
module attributes {stable_mosaic.version = 14 : i64} {
  func.func @seg_sum(%arg0: i32, %arg1: i32, %arg2: memref<10000x128xf32, #tpu.memory_space<hbm>>, %arg3: memref<321024xi32, #tpu.memory_space<hbm>>, %arg4: memref<321024xi32, #tpu.memory_space<hbm>>, %arg5: memref<2x10624x128xf32, #tpu.memory_space<hbm>>, %arg6: memref<2x10624x128xf32, #tpu.memory_space<hbm>>, %arg7: memref<10624x128xf32, #tpu.memory_space<vmem_shared>>, %arg8: memref<88xi32, #tpu.memory_space<vmem>>, %arg9: memref<88xi32, #tpu.memory_space<vmem>>, %arg10: memref<88xi32, #tpu.memory_space<vmem>>, %arg11: memref<88xi32, #tpu.memory_space<vmem>>, %arg12: memref<88x128xf32, #tpu.memory_space<vmem>>, %arg13: memref<88x128xf32, #tpu.memory_space<vmem>>, %arg14: memref<!tpu.dma_semaphore, #tpu.memory_space<semaphore_mem>>, %arg15: memref<!tpu.dma_semaphore, #tpu.memory_space<semaphore_mem>>, %arg16: memref<!tpu.dma_semaphore, #tpu.memory_space<semaphore_mem>>, %arg17: memref<!tpu.dma_semaphore, #tpu.memory_space<semaphore_mem>>) attributes {dimension_semantics = [#tpu.dimension_semantics<core_parallel>, #tpu.dimension_semantics<subcore_parallel>], iteration_bounds = array<i64: 2, 16>, scalar_prefetch = 0 : i64, scratch_operands = 11 : i64, tpu.core_type = #tpu.core_type<sc_vector_subcore>, window_params = [{transform_indices = #map}, {transform_indices = #map1}, {transform_indices = #map1}, {transform_indices = #map2}, {transform_indices = #map2}]} {
    %mul3A = arith.constant 2 : i32
    %mul3A_0 = arith.muli %arg1, %mul3A : i32
    %add3A = arith.addi %mul3A_0, %arg0 : i32
    %mul3A_1 = arith.constant 664 : i32
    %mul3A_2 = arith.muli %arg1, %mul3A_1 : i32
    %multiple_of3A = tpu.assume_multiple %mul3A_2, 8 : i32
    %mul3A_3 = arith.constant 114 : i32
    %mul3A_4 = arith.muli %add3A, %mul3A_3 : i32
    %mul3A_5 = arith.constant 88 : i32
    %mul3A_6 = arith.muli %mul3A_4, %mul3A_5 : i32
    %multiple_of3A_7 = tpu.assume_multiple %mul3A_6, 8 : i32
    "tpu.region"() ({
      %run_scoped3A = tpu.sem_alloc : memref<!tpu.dma_semaphore, #tpu.memory_space<semaphore_mem>>
      %dma_start3A_36 = arith.constant 0 : i32
      %dma_start3A_37 = tpu.memref_slice %arg7[%multiple_of3A, %dma_start3A_36] : memref<10624x128xf32, #tpu.memory_space<vmem_shared>> -> memref<664x128xf32, #tpu.memory_space<vmem_shared>>
      %dma_start3A_38 = arith.constant 0 : i32
      %dma_start3A_39 = tpu.memref_slice %arg5[%arg0, %multiple_of3A, %dma_start3A_38] : memref<2x10624x128xf32, #tpu.memory_space<hbm>> -> memref<1x664x128xf32, #tpu.memory_space<hbm>>
      %dma_start3A_40 = tpu.memref_squeeze %dma_start3A_39 : memref<1x664x128xf32, #tpu.memory_space<hbm>> -> memref<664x128xf32, #tpu.memory_space<hbm>>
      tpu.enqueue_dma source(%dma_start3A_40 : memref<664x128xf32, #tpu.memory_space<hbm>>) target(%dma_start3A_37 : memref<664x128xf32, #tpu.memory_space<vmem_shared>>) target_semaphore(%run_scoped3A : memref<!tpu.dma_semaphore, #tpu.memory_space<semaphore_mem>>)
      %dma_wait3A_41 = arith.constant 0 : i32
      %dma_wait3A_42 = tpu.memref_slice %arg7[%multiple_of3A, %dma_wait3A_41] : memref<10624x128xf32, #tpu.memory_space<vmem_shared>> -> memref<664x128xf32, #tpu.memory_space<vmem_shared>>
      %dma_wait3A_43 = arith.constant 0 : i32
      %dma_wait3A_44 = tpu.memref_slice %arg5[%arg0, %multiple_of3A, %dma_wait3A_43] : memref<2x10624x128xf32, #tpu.memory_space<hbm>> -> memref<1x664x128xf32, #tpu.memory_space<hbm>>
      %dma_wait3A_45 = tpu.memref_squeeze %dma_wait3A_44 : memref<1x664x128xf32, #tpu.memory_space<hbm>> -> memref<664x128xf32, #tpu.memory_space<hbm>>
      tpu.wait_dma2 semaphore(%run_scoped3A : memref<!tpu.dma_semaphore, #tpu.memory_space<semaphore_mem>>) src(%dma_wait3A_45 : memref<664x128xf32, #tpu.memory_space<hbm>>) dst(%dma_wait3A_42 : memref<664x128xf32, #tpu.memory_space<vmem_shared>>)
      tpu.yield
    }) : () -> ()
    %barrier3A = arith.constant 0 : index
    tpu.barrier barrier_id(%barrier3A)
    %add3A_8 = arith.constant 0 : i32
    %add3A_9 = arith.addi %multiple_of3A_7, %add3A_8 : i32
    %multiple_of3A_10 = tpu.assume_multiple %add3A_9, 8 : i32
    %dma_start3A = tpu.memref_slice %arg3[%multiple_of3A_10] : memref<321024xi32, #tpu.memory_space<hbm>> -> memref<88xi32, #tpu.memory_space<hbm>>
    %dma_start3A_11 = tpu.memref_slice %arg3[%multiple_of3A_10] : memref<321024xi32, #tpu.memory_space<hbm>> -> memref<88xi32, #tpu.memory_space<hbm>>
    tpu.enqueue_dma source(%dma_start3A_11 : memref<88xi32, #tpu.memory_space<hbm>>) target(%arg8 : memref<88xi32, #tpu.memory_space<vmem>>) target_semaphore(%arg16 : memref<!tpu.dma_semaphore, #tpu.memory_space<semaphore_mem>>)
    %dma_start3A_12 = tpu.memref_slice %arg4[%multiple_of3A_10] : memref<321024xi32, #tpu.memory_space<hbm>> -> memref<88xi32, #tpu.memory_space<hbm>>
    %dma_start3A_13 = tpu.memref_slice %arg4[%multiple_of3A_10] : memref<321024xi32, #tpu.memory_space<hbm>> -> memref<88xi32, #tpu.memory_space<hbm>>
    tpu.enqueue_dma source(%dma_start3A_13 : memref<88xi32, #tpu.memory_space<hbm>>) target(%arg10 : memref<88xi32, #tpu.memory_space<vmem>>) target_semaphore(%arg16 : memref<!tpu.dma_semaphore, #tpu.memory_space<semaphore_mem>>)
    %dma_wait3A = arith.constant 0 : i32
    %dma_wait3A_14 = tpu.memref_slice %arg3[%dma_wait3A] : memref<321024xi32, #tpu.memory_space<hbm>> -> memref<88xi32, #tpu.memory_space<hbm>>
    %dma_wait3A_15 = arith.constant 0 : i32
    %dma_wait3A_16 = tpu.memref_slice %arg3[%dma_wait3A_15] : memref<321024xi32, #tpu.memory_space<hbm>> -> memref<88xi32, #tpu.memory_space<hbm>>
    tpu.wait_dma2 semaphore(%arg16 : memref<!tpu.dma_semaphore, #tpu.memory_space<semaphore_mem>>) src(%dma_wait3A_16 : memref<88xi32, #tpu.memory_space<hbm>>) dst(%arg8 : memref<88xi32, #tpu.memory_space<vmem>>)
    %dma_wait3A_17 = arith.constant 0 : i32
    %dma_wait3A_18 = tpu.memref_slice %arg4[%dma_wait3A_17] : memref<321024xi32, #tpu.memory_space<hbm>> -> memref<88xi32, #tpu.memory_space<hbm>>
    %dma_wait3A_19 = arith.constant 0 : i32
    %dma_wait3A_20 = tpu.memref_slice %arg4[%dma_wait3A_19] : memref<321024xi32, #tpu.memory_space<hbm>> -> memref<88xi32, #tpu.memory_space<hbm>>
    tpu.wait_dma2 semaphore(%arg16 : memref<!tpu.dma_semaphore, #tpu.memory_space<semaphore_mem>>) src(%dma_wait3A_20 : memref<88xi32, #tpu.memory_space<hbm>>) dst(%arg10 : memref<88xi32, #tpu.memory_space<vmem>>)
    %dma_start3A_21 = arith.constant 0 : i32
    %dma_start3A_22 = arith.constant 0 : i32
    %dma_start3A_23 = tpu.memref_slice %arg2[%dma_start3A_21, %dma_start3A_22] : memref<10000x128xf32, #tpu.memory_space<hbm>> -> memref<10000x128xf32, #tpu.memory_space<hbm>>
    tpu.enqueue_indirect_dma source(%dma_start3A_23 : memref<10000x128xf32, #tpu.memory_space<hbm>>) target(%arg12 : memref<88x128xf32, #tpu.memory_space<vmem>>) offsets(%arg8 : memref<88xi32, #tpu.memory_space<vmem>>) semaphore(%arg14 : memref<!tpu.dma_semaphore, #tpu.memory_space<semaphore_mem>>)
    %add3A_24 = arith.constant 88 : i32
    %add3A_25 = arith.addi %multiple_of3A_7, %add3A_24 : i32
    %multiple_of3A_26 = tpu.assume_multiple %add3A_25, 8 : i32
    %dma_start3A_27 = tpu.memref_slice %arg3[%multiple_of3A_26] : memref<321024xi32, #tpu.memory_space<hbm>> -> memref<88xi32, #tpu.memory_space<hbm>>
    %dma_start3A_28 = tpu.memref_slice %arg3[%multiple_of3A_26] : memref<321024xi32, #tpu.memory_space<hbm>> -> memref<88xi32, #tpu.memory_space<hbm>>
    tpu.enqueue_dma source(%dma_start3A_28 : memref<88xi32, #tpu.memory_space<hbm>>) target(%arg9 : memref<88xi32, #tpu.memory_space<vmem>>) target_semaphore(%arg17 : memref<!tpu.dma_semaphore, #tpu.memory_space<semaphore_mem>>)
    %dma_start3A_29 = tpu.memref_slice %arg4[%multiple_of3A_26] : memref<321024xi32, #tpu.memory_space<hbm>> -> memref<88xi32, #tpu.memory_space<hbm>>
    %dma_start3A_30 = tpu.memref_slice %arg4[%multiple_of3A_26] : memref<321024xi32, #tpu.memory_space<hbm>> -> memref<88xi32, #tpu.memory_space<hbm>>
    tpu.enqueue_dma source(%dma_start3A_30 : memref<88xi32, #tpu.memory_space<hbm>>) target(%arg11 : memref<88xi32, #tpu.memory_space<vmem>>) target_semaphore(%arg17 : memref<!tpu.dma_semaphore, #tpu.memory_space<semaphore_mem>>)
    %scan3A = arith.constant 0 : i32
    %scan3A_31 = arith.constant 57 : i32
    %scan3A_32 = arith.addi %scan3A, %scan3A_31 : i32
    %scan3A_33 = arith.constant 1 : i32
    scf.for %scan3A_36 = %scan3A to %scan3A_32 step %scan3A_33  : i32 {
      %mul3A_37 = arith.constant 1 : i32
      %mul3A_38 = arith.muli %scan3A_36, %mul3A_37 : i32
      %add3A_39 = arith.constant 0 : i32
      %add3A_40 = arith.addi %add3A_39, %mul3A_38 : i32
      %mul3A_41 = arith.constant 2 : i32
      %mul3A_42 = arith.muli %add3A_40, %mul3A_41 : i32
      %dma_wait3A_43 = arith.constant 0 : i32
      %dma_wait3A_44 = tpu.memref_slice %arg3[%dma_wait3A_43] : memref<321024xi32, #tpu.memory_space<hbm>> -> memref<88xi32, #tpu.memory_space<hbm>>
      %dma_wait3A_45 = arith.constant 0 : i32
      %dma_wait3A_46 = tpu.memref_slice %arg3[%dma_wait3A_45] : memref<321024xi32, #tpu.memory_space<hbm>> -> memref<88xi32, #tpu.memory_space<hbm>>
      tpu.wait_dma2 semaphore(%arg17 : memref<!tpu.dma_semaphore, #tpu.memory_space<semaphore_mem>>) src(%dma_wait3A_46 : memref<88xi32, #tpu.memory_space<hbm>>) dst(%arg9 : memref<88xi32, #tpu.memory_space<vmem>>)
      %dma_wait3A_47 = arith.constant 0 : i32
      %dma_wait3A_48 = tpu.memref_slice %arg4[%dma_wait3A_47] : memref<321024xi32, #tpu.memory_space<hbm>> -> memref<88xi32, #tpu.memory_space<hbm>>
      %dma_wait3A_49 = arith.constant 0 : i32
      %dma_wait3A_50 = tpu.memref_slice %arg4[%dma_wait3A_49] : memref<321024xi32, #tpu.memory_space<hbm>> -> memref<88xi32, #tpu.memory_space<hbm>>
      tpu.wait_dma2 semaphore(%arg17 : memref<!tpu.dma_semaphore, #tpu.memory_space<semaphore_mem>>) src(%dma_wait3A_50 : memref<88xi32, #tpu.memory_space<hbm>>) dst(%arg11 : memref<88xi32, #tpu.memory_space<vmem>>)
      %dma_start3A_51 = arith.constant 0 : i32
      %dma_start3A_52 = arith.constant 0 : i32
      %dma_start3A_53 = tpu.memref_slice %arg2[%dma_start3A_51, %dma_start3A_52] : memref<10000x128xf32, #tpu.memory_space<hbm>> -> memref<10000x128xf32, #tpu.memory_space<hbm>>
      tpu.enqueue_indirect_dma source(%dma_start3A_53 : memref<10000x128xf32, #tpu.memory_space<hbm>>) target(%arg13 : memref<88x128xf32, #tpu.memory_space<vmem>>) offsets(%arg9 : memref<88xi32, #tpu.memory_space<vmem>>) semaphore(%arg15 : memref<!tpu.dma_semaphore, #tpu.memory_space<semaphore_mem>>)
      %dma_wait3A_54 = arith.constant 0 : i32
      %dma_wait3A_55 = arith.constant 0 : i32
      %dma_wait3A_56 = tpu.memref_slice %arg2[%dma_wait3A_54, %dma_wait3A_55] : memref<10000x128xf32, #tpu.memory_space<hbm>> -> memref<10000x128xf32, #tpu.memory_space<hbm>>
      tpu.wait_indirect_dma semaphore(%arg14 : memref<!tpu.dma_semaphore, #tpu.memory_space<semaphore_mem>>) src(%dma_wait3A_56 : memref<10000x128xf32, #tpu.memory_space<hbm>>) dst(%arg12 : memref<88x128xf32, #tpu.memory_space<vmem>>)
      "tpu.region"() ({
        %run_scoped3A = tpu.sem_alloc : memref<!tpu.dma_semaphore, #tpu.memory_space<semaphore_mem>>
        %dma_start3A_67 = arith.constant 0 : i32
        %dma_start3A_68 = arith.constant 0 : i32
        %dma_start3A_69 = tpu.memref_slice %arg7[%dma_start3A_67, %dma_start3A_68] : memref<10624x128xf32, #tpu.memory_space<vmem_shared>> -> memref<10624x128xf32, #tpu.memory_space<vmem_shared>>
        tpu.enqueue_indirect_dma source(%arg12 : memref<88x128xf32, #tpu.memory_space<vmem>>) target(%dma_start3A_69 : memref<10624x128xf32, #tpu.memory_space<vmem_shared>>) offsets(%arg10 : memref<88xi32, #tpu.memory_space<vmem>>) semaphore(%run_scoped3A : memref<!tpu.dma_semaphore, #tpu.memory_space<semaphore_mem>>) {add = true}
        %dma_wait3A_70 = arith.constant 0 : i32
        %dma_wait3A_71 = arith.constant 0 : i32
        %dma_wait3A_72 = tpu.memref_slice %arg7[%dma_wait3A_70, %dma_wait3A_71] : memref<10624x128xf32, #tpu.memory_space<vmem_shared>> -> memref<10624x128xf32, #tpu.memory_space<vmem_shared>>
        tpu.wait_indirect_dma semaphore(%run_scoped3A : memref<!tpu.dma_semaphore, #tpu.memory_space<semaphore_mem>>) src(%arg12 : memref<88x128xf32, #tpu.memory_space<vmem>>) dst(%dma_wait3A_72 : memref<10624x128xf32, #tpu.memory_space<vmem_shared>>)
        tpu.yield
      }) : () -> ()
      %lt3A = arith.constant 56 : i32
      %lt3A_57 = arith.cmpi slt, %add3A_40, %lt3A : i32
      %convert_element_type3A = arith.extui %lt3A_57 : i1 to i32
      %cond3A = arith.constant 0 : i32
      %cond3A_58 = arith.cmpi ne, %convert_element_type3A, %cond3A : i32
      scf.if %cond3A_58 {
        %add3A_67 = arith.constant 2 : i32
        %add3A_68 = arith.addi %mul3A_42, %add3A_67 : i32
        %mul3A_69 = arith.constant 88 : i32
        %mul3A_70 = arith.muli %add3A_68, %mul3A_69 : i32
        %add3A_71 = arith.addi %multiple_of3A_7, %mul3A_70 : i32
        %multiple_of3A_72 = tpu.assume_multiple %add3A_71, 8 : i32
        %dma_start3A_73 = tpu.memref_slice %arg3[%multiple_of3A_72] : memref<321024xi32, #tpu.memory_space<hbm>> -> memref<88xi32, #tpu.memory_space<hbm>>
        %dma_start3A_74 = tpu.memref_slice %arg3[%multiple_of3A_72] : memref<321024xi32, #tpu.memory_space<hbm>> -> memref<88xi32, #tpu.memory_space<hbm>>
        tpu.enqueue_dma source(%dma_start3A_74 : memref<88xi32, #tpu.memory_space<hbm>>) target(%arg8 : memref<88xi32, #tpu.memory_space<vmem>>) target_semaphore(%arg16 : memref<!tpu.dma_semaphore, #tpu.memory_space<semaphore_mem>>)
        %dma_start3A_75 = tpu.memref_slice %arg4[%multiple_of3A_72] : memref<321024xi32, #tpu.memory_space<hbm>> -> memref<88xi32, #tpu.memory_space<hbm>>
        %dma_start3A_76 = tpu.memref_slice %arg4[%multiple_of3A_72] : memref<321024xi32, #tpu.memory_space<hbm>> -> memref<88xi32, #tpu.memory_space<hbm>>
        tpu.enqueue_dma source(%dma_start3A_76 : memref<88xi32, #tpu.memory_space<hbm>>) target(%arg10 : memref<88xi32, #tpu.memory_space<vmem>>) target_semaphore(%arg16 : memref<!tpu.dma_semaphore, #tpu.memory_space<semaphore_mem>>)
      } else {
      }
      %dma_wait3A_59 = arith.constant 0 : i32
      %dma_wait3A_60 = arith.constant 0 : i32
      %dma_wait3A_61 = tpu.memref_slice %arg2[%dma_wait3A_59, %dma_wait3A_60] : memref<10000x128xf32, #tpu.memory_space<hbm>> -> memref<10000x128xf32, #tpu.memory_space<hbm>>
      tpu.wait_indirect_dma semaphore(%arg15 : memref<!tpu.dma_semaphore, #tpu.memory_space<semaphore_mem>>) src(%dma_wait3A_61 : memref<10000x128xf32, #tpu.memory_space<hbm>>) dst(%arg13 : memref<88x128xf32, #tpu.memory_space<vmem>>)
      "tpu.region"() ({
        %run_scoped3A = tpu.sem_alloc : memref<!tpu.dma_semaphore, #tpu.memory_space<semaphore_mem>>
        %dma_start3A_67 = arith.constant 0 : i32
        %dma_start3A_68 = arith.constant 0 : i32
        %dma_start3A_69 = tpu.memref_slice %arg7[%dma_start3A_67, %dma_start3A_68] : memref<10624x128xf32, #tpu.memory_space<vmem_shared>> -> memref<10624x128xf32, #tpu.memory_space<vmem_shared>>
        tpu.enqueue_indirect_dma source(%arg13 : memref<88x128xf32, #tpu.memory_space<vmem>>) target(%dma_start3A_69 : memref<10624x128xf32, #tpu.memory_space<vmem_shared>>) offsets(%arg11 : memref<88xi32, #tpu.memory_space<vmem>>) semaphore(%run_scoped3A : memref<!tpu.dma_semaphore, #tpu.memory_space<semaphore_mem>>) {add = true}
        %dma_wait3A_70 = arith.constant 0 : i32
        %dma_wait3A_71 = arith.constant 0 : i32
        %dma_wait3A_72 = tpu.memref_slice %arg7[%dma_wait3A_70, %dma_wait3A_71] : memref<10624x128xf32, #tpu.memory_space<vmem_shared>> -> memref<10624x128xf32, #tpu.memory_space<vmem_shared>>
        tpu.wait_indirect_dma semaphore(%run_scoped3A : memref<!tpu.dma_semaphore, #tpu.memory_space<semaphore_mem>>) src(%arg13 : memref<88x128xf32, #tpu.memory_space<vmem>>) dst(%dma_wait3A_72 : memref<10624x128xf32, #tpu.memory_space<vmem_shared>>)
        tpu.yield
      }) : () -> ()
      %lt3A_62 = arith.constant 56 : i32
      %lt3A_63 = arith.cmpi slt, %add3A_40, %lt3A_62 : i32
      %convert_element_type3A_64 = arith.extui %lt3A_63 : i1 to i32
      %cond3A_65 = arith.constant 0 : i32
      %cond3A_66 = arith.cmpi ne, %convert_element_type3A_64, %cond3A_65 : i32
      scf.if %cond3A_66 {
        %dma_wait3A_67 = arith.constant 0 : i32
        %dma_wait3A_68 = tpu.memref_slice %arg3[%dma_wait3A_67] : memref<321024xi32, #tpu.memory_space<hbm>> -> memref<88xi32, #tpu.memory_space<hbm>>
        %dma_wait3A_69 = arith.constant 0 : i32
        %dma_wait3A_70 = tpu.memref_slice %arg3[%dma_wait3A_69] : memref<321024xi32, #tpu.memory_space<hbm>> -> memref<88xi32, #tpu.memory_space<hbm>>
        tpu.wait_dma2 semaphore(%arg16 : memref<!tpu.dma_semaphore, #tpu.memory_space<semaphore_mem>>) src(%dma_wait3A_70 : memref<88xi32, #tpu.memory_space<hbm>>) dst(%arg8 : memref<88xi32, #tpu.memory_space<vmem>>)
        %dma_wait3A_71 = arith.constant 0 : i32
        %dma_wait3A_72 = tpu.memref_slice %arg4[%dma_wait3A_71] : memref<321024xi32, #tpu.memory_space<hbm>> -> memref<88xi32, #tpu.memory_space<hbm>>
        %dma_wait3A_73 = arith.constant 0 : i32
        %dma_wait3A_74 = tpu.memref_slice %arg4[%dma_wait3A_73] : memref<321024xi32, #tpu.memory_space<hbm>> -> memref<88xi32, #tpu.memory_space<hbm>>
        tpu.wait_dma2 semaphore(%arg16 : memref<!tpu.dma_semaphore, #tpu.memory_space<semaphore_mem>>) src(%dma_wait3A_74 : memref<88xi32, #tpu.memory_space<hbm>>) dst(%arg10 : memref<88xi32, #tpu.memory_space<vmem>>)
        %dma_start3A_75 = arith.constant 0 : i32
        %dma_start3A_76 = arith.constant 0 : i32
        %dma_start3A_77 = tpu.memref_slice %arg2[%dma_start3A_75, %dma_start3A_76] : memref<10000x128xf32, #tpu.memory_space<hbm>> -> memref<10000x128xf32, #tpu.memory_space<hbm>>
        tpu.enqueue_indirect_dma source(%dma_start3A_77 : memref<10000x128xf32, #tpu.memory_space<hbm>>) target(%arg12 : memref<88x128xf32, #tpu.memory_space<vmem>>) offsets(%arg8 : memref<88xi32, #tpu.memory_space<vmem>>) semaphore(%arg14 : memref<!tpu.dma_semaphore, #tpu.memory_space<semaphore_mem>>)
        %add3A_78 = arith.constant 3 : i32
        %add3A_79 = arith.addi %mul3A_42, %add3A_78 : i32
        %mul3A_80 = arith.constant 88 : i32
        %mul3A_81 = arith.muli %add3A_79, %mul3A_80 : i32
        %add3A_82 = arith.addi %multiple_of3A_7, %mul3A_81 : i32
        %multiple_of3A_83 = tpu.assume_multiple %add3A_82, 8 : i32
        %dma_start3A_84 = tpu.memref_slice %arg3[%multiple_of3A_83] : memref<321024xi32, #tpu.memory_space<hbm>> -> memref<88xi32, #tpu.memory_space<hbm>>
        %dma_start3A_85 = tpu.memref_slice %arg3[%multiple_of3A_83] : memref<321024xi32, #tpu.memory_space<hbm>> -> memref<88xi32, #tpu.memory_space<hbm>>
        tpu.enqueue_dma source(%dma_start3A_85 : memref<88xi32, #tpu.memory_space<hbm>>) target(%arg9 : memref<88xi32, #tpu.memory_space<vmem>>) target_semaphore(%arg17 : memref<!tpu.dma_semaphore, #tpu.memory_space<semaphore_mem>>)
        %dma_start3A_86 = tpu.memref_slice %arg4[%multiple_of3A_83] : memref<321024xi32, #tpu.memory_space<hbm>> -> memref<88xi32, #tpu.memory_space<hbm>>
        %dma_start3A_87 = tpu.memref_slice %arg4[%multiple_of3A_83] : memref<321024xi32, #tpu.memory_space<hbm>> -> memref<88xi32, #tpu.memory_space<hbm>>
        tpu.enqueue_dma source(%dma_start3A_87 : memref<88xi32, #tpu.memory_space<hbm>>) target(%arg11 : memref<88xi32, #tpu.memory_space<vmem>>) target_semaphore(%arg17 : memref<!tpu.dma_semaphore, #tpu.memory_space<semaphore_mem>>)
      } else {
      }
    }
    %scan3A_34 = arith.constant 57 : i32
    %barrier3A_35 = arith.constant 0 : index
    tpu.barrier barrier_id(%barrier3A_35)
    "tpu.region"() ({
      %run_scoped3A = tpu.sem_alloc : memref<!tpu.dma_semaphore, #tpu.memory_space<semaphore_mem>>
      %dma_start3A_36 = arith.constant 0 : i32
      %dma_start3A_37 = tpu.memref_slice %arg6[%arg0, %multiple_of3A, %dma_start3A_36] : memref<2x10624x128xf32, #tpu.memory_space<hbm>> -> memref<1x664x128xf32, #tpu.memory_space<hbm>>
      %dma_start3A_38 = tpu.memref_squeeze %dma_start3A_37 : memref<1x664x128xf32, #tpu.memory_space<hbm>> -> memref<664x128xf32, #tpu.memory_space<hbm>>
      %dma_start3A_39 = arith.constant 0 : i32
      %dma_start3A_40 = tpu.memref_slice %arg7[%multiple_of3A, %dma_start3A_39] : memref<10624x128xf32, #tpu.memory_space<vmem_shared>> -> memref<664x128xf32, #tpu.memory_space<vmem_shared>>
      tpu.enqueue_dma source(%dma_start3A_40 : memref<664x128xf32, #tpu.memory_space<vmem_shared>>) target(%dma_start3A_38 : memref<664x128xf32, #tpu.memory_space<hbm>>) target_semaphore(%run_scoped3A : memref<!tpu.dma_semaphore, #tpu.memory_space<semaphore_mem>>)
      %dma_wait3A_41 = arith.constant 0 : i32
      %dma_wait3A_42 = tpu.memref_slice %arg6[%arg0, %multiple_of3A, %dma_wait3A_41] : memref<2x10624x128xf32, #tpu.memory_space<hbm>> -> memref<1x664x128xf32, #tpu.memory_space<hbm>>
      %dma_wait3A_43 = tpu.memref_squeeze %dma_wait3A_42 : memref<1x664x128xf32, #tpu.memory_space<hbm>> -> memref<664x128xf32, #tpu.memory_space<hbm>>
      %dma_wait3A_44 = arith.constant 0 : i32
      %dma_wait3A_45 = tpu.memref_slice %arg7[%multiple_of3A, %dma_wait3A_44] : memref<10624x128xf32, #tpu.memory_space<vmem_shared>> -> memref<664x128xf32, #tpu.memory_space<vmem_shared>>
      tpu.wait_dma2 semaphore(%run_scoped3A : memref<!tpu.dma_semaphore, #tpu.memory_space<semaphore_mem>>) src(%dma_wait3A_45 : memref<664x128xf32, #tpu.memory_space<vmem_shared>>) dst(%dma_wait3A_43 : memref<664x128xf32, #tpu.memory_space<hbm>>)
      tpu.yield
    }) : () -> ()
    return
  }
}

module attributes {stable_mosaic.version = 14 : i64} {
  func.func @_dense_body(%arg0: i32, %arg1: memref<2x1000x128xf32, #tpu.memory_space<vmem>>, %arg2: memref<1000x128xf32, #tpu.memory_space<vmem>>, %arg3: memref<128x256xf32, #tpu.memory_space<vmem>>, %arg4: memref<128x256xf32, #tpu.memory_space<vmem>>, %arg5: memref<1x256xf32, #tpu.memory_space<vmem>>, %arg6: memref<256x128xf32, #tpu.memory_space<vmem>>, %arg7: memref<256x128xf32, #tpu.memory_space<vmem>>, %arg8: memref<1x128xf32, #tpu.memory_space<vmem>>, %arg9: memref<1000x128xf32, #tpu.memory_space<vmem>>, %arg10: memref<1000x128xf32, #tpu.memory_space<vmem>>) attributes {dimension_semantics = [#tpu.dimension_semantics<arbitrary>], iteration_bounds = array<i64: 10>, scalar_prefetch = 0 : i64, scratch_operands = 0 : i64, tpu.core_type = #tpu.core_type<tc>, window_params = [{transform_indices = @transform_0, window_bounds = array<i64: 2, 1000, 128>}, {transform_indices = @transform_1, window_bounds = array<i64: 1000, 128>}, {pipeline_mode = #tpu.pipeline_mode<synchronous>, transform_indices = @transform_2, window_bounds = array<i64: 128, 256>}, {pipeline_mode = #tpu.pipeline_mode<synchronous>, transform_indices = @transform_3, window_bounds = array<i64: 128, 256>}, {pipeline_mode = #tpu.pipeline_mode<synchronous>, transform_indices = @transform_4, window_bounds = array<i64: 1, 256>}, {pipeline_mode = #tpu.pipeline_mode<synchronous>, transform_indices = @transform_5, window_bounds = array<i64: 256, 128>}, {pipeline_mode = #tpu.pipeline_mode<synchronous>, transform_indices = @transform_6, window_bounds = array<i64: 256, 128>}, {pipeline_mode = #tpu.pipeline_mode<synchronous>, transform_indices = @transform_7, window_bounds = array<i64: 1, 128>}, {transform_indices = @transform_8, window_bounds = array<i64: 1000, 128>}, {transform_indices = @transform_9, window_bounds = array<i64: 1000, 128>}]} {
    %get3A = arith.constant 0 : index
    %get3A_0 = arith.constant 0 : index
    %get3A_1 = arith.constant 0 : index
    %get3A_2 = vector.load %arg1[%get3A, %get3A_0, %get3A_1] : memref<2x1000x128xf32, #tpu.memory_space<vmem>>, vector<1x1000x128xf32>
    %get3A_3 = vector.shape_cast %get3A_2 : vector<1x1000x128xf32> to vector<1000x128xf32>
    %get3A_4 = arith.constant 1 : index
    %get3A_5 = arith.constant 0 : index
    %get3A_6 = arith.constant 0 : index
    %get3A_7 = vector.load %arg1[%get3A_4, %get3A_5, %get3A_6] : memref<2x1000x128xf32, #tpu.memory_space<vmem>>, vector<1x1000x128xf32>
    %get3A_8 = vector.shape_cast %get3A_7 : vector<1x1000x128xf32> to vector<1000x128xf32>
    %add3A = arith.addf %get3A_3, %get3A_8 : vector<1000x128xf32>
    %get3A_9 = arith.constant 0 : index
    %get3A_10 = arith.constant 0 : index
    %get3A_11 = vector.load %arg3[%get3A_9, %get3A_10] : memref<128x256xf32, #tpu.memory_space<vmem>>, vector<128x256xf32>
    %dot_general3A = arith.constant dense<0.000000e+00> : vector<1000x256xf32>
    %dot_general3A_12 = tpu.matmul %add3A, %get3A_11, %dot_general3A {dimension_numbers = #tpu.dot_dimension_numbers<[1], [0], [0], [1], [0, 0, 1, 1], [], []>, transpose_lhs_hint = false} : vector<1000x128xf32>, vector<128x256xf32>, vector<1000x256xf32> -> vector<1000x256xf32>
    %get3A_13 = arith.constant 0 : index
    %get3A_14 = arith.constant 0 : index
    %get3A_15 = vector.load %arg2[%get3A_13, %get3A_14] : memref<1000x128xf32, #tpu.memory_space<vmem>>, vector<1000x128xf32>
    %get3A_16 = arith.constant 0 : index
    %get3A_17 = arith.constant 0 : index
    %get3A_18 = vector.load %arg4[%get3A_16, %get3A_17] : memref<128x256xf32, #tpu.memory_space<vmem>>, vector<128x256xf32>
    %dot_general3A_19 = arith.constant dense<0.000000e+00> : vector<1000x256xf32>
    %dot_general3A_20 = tpu.matmul %get3A_15, %get3A_18, %dot_general3A_19 {dimension_numbers = #tpu.dot_dimension_numbers<[1], [0], [0], [1], [0, 0, 1, 1], [], []>, transpose_lhs_hint = false} : vector<1000x128xf32>, vector<128x256xf32>, vector<1000x256xf32> -> vector<1000x256xf32>
    %add3A_21 = arith.addf %dot_general3A_12, %dot_general3A_20 : vector<1000x256xf32>
    %get3A_22 = arith.constant 0 : index
    %get3A_23 = arith.constant 0 : index
    %get3A_24 = vector.load %arg5[%get3A_22, %get3A_23] : memref<1x256xf32, #tpu.memory_space<vmem>>, vector<1x256xf32>
    %add3A_25 = vector.broadcast %get3A_24 : vector<1x256xf32> to vector<1000x256xf32>
    %add3A_26 = arith.addf %add3A_21, %add3A_25 : vector<1000x256xf32>
    %max3A = arith.constant 0.000000e+00 : f32
    %max3A_27 = vector.broadcast %max3A : f32 to vector<1000x256xf32>
    %max3A_28 = arith.maximumf %add3A_26, %max3A_27 : vector<1000x256xf32>
    %get3A_29 = arith.constant 0 : index
    %get3A_30 = arith.constant 0 : index
    %get3A_31 = vector.load %arg6[%get3A_29, %get3A_30] : memref<256x128xf32, #tpu.memory_space<vmem>>, vector<256x128xf32>
    %dot_general3A_32 = arith.constant dense<0.000000e+00> : vector<1000x128xf32>
    %dot_general3A_33 = tpu.matmul %max3A_28, %get3A_31, %dot_general3A_32 {dimension_numbers = #tpu.dot_dimension_numbers<[1], [0], [0], [1], [0, 0, 1, 1], [], []>, transpose_lhs_hint = false} : vector<1000x256xf32>, vector<256x128xf32>, vector<1000x128xf32> -> vector<1000x128xf32>
    %swap3A = arith.constant 0 : index
    %swap3A_34 = arith.constant 0 : index
    %swap3A_35 = vector.load %arg9[%swap3A, %swap3A_34] : memref<1000x128xf32, #tpu.memory_space<vmem>>, vector<1000x128xf32>
    tpu.vector_store %arg9[%swap3A, %swap3A_34], %dot_general3A_33 {strides = array<i32>} : memref<1000x128xf32, #tpu.memory_space<vmem>>, vector<1000x128xf32>,
    %get3A_36 = arith.constant 0 : index
    %get3A_37 = arith.constant 0 : index
    %get3A_38 = vector.load %arg7[%get3A_36, %get3A_37] : memref<256x128xf32, #tpu.memory_space<vmem>>, vector<256x128xf32>
    %dot_general3A_39 = arith.constant dense<0.000000e+00> : vector<1000x128xf32>
    %dot_general3A_40 = tpu.matmul %max3A_28, %get3A_38, %dot_general3A_39 {dimension_numbers = #tpu.dot_dimension_numbers<[1], [0], [0], [1], [0, 0, 1, 1], [], []>, transpose_lhs_hint = false} : vector<1000x256xf32>, vector<256x128xf32>, vector<1000x128xf32> -> vector<1000x128xf32>
    %get3A_41 = arith.constant 0 : index
    %get3A_42 = arith.constant 0 : index
    %get3A_43 = vector.load %arg8[%get3A_41, %get3A_42] : memref<1x128xf32, #tpu.memory_space<vmem>>, vector<1x128xf32>
    %add3A_44 = vector.broadcast %get3A_43 : vector<1x128xf32> to vector<1000x128xf32>
    %add3A_45 = arith.addf %dot_general3A_40, %add3A_44 : vector<1000x128xf32>
    %swap3A_46 = arith.constant 0 : index
    %swap3A_47 = arith.constant 0 : index
    %swap3A_48 = vector.load %arg10[%swap3A_46, %swap3A_47] : memref<1000x128xf32, #tpu.memory_space<vmem>>, vector<1000x128xf32>
    tpu.vector_store %arg10[%swap3A_46, %swap3A_47], %add3A_45 {strides = array<i32>} : memref<1000x128xf32, #tpu.memory_space<vmem>>, vector<1000x128xf32>,
    return
  }
  func.func @transform_0(%arg0: i32) -> (i32, i32, i32) {
    %c0_i32 = arith.constant 0 : i32
    %c0_i32_0 = arith.constant 0 : i32
    %c0_i32_1 = arith.constant 0 : i32
    return %c0_i32, %arg0, %c0_i32_0 : i32, i32, i32
  }
  func.func @transform_1(%arg0: i32) -> (i32, i32) {
    %c0_i32 = arith.constant 0 : i32
    %c0_i32_0 = arith.constant 0 : i32
    return %arg0, %c0_i32 : i32, i32
  }
  func.func @transform_2(%arg0: i32) -> (i32, i32) {
    %c0_i32 = arith.constant 0 : i32
    %c0_i32_0 = arith.constant 0 : i32
    %c0_i32_1 = arith.constant 0 : i32
    return %c0_i32, %c0_i32_0 : i32, i32
  }
  func.func @transform_3(%arg0: i32) -> (i32, i32) {
    %c0_i32 = arith.constant 0 : i32
    %c0_i32_0 = arith.constant 0 : i32
    %c0_i32_1 = arith.constant 0 : i32
    return %c0_i32, %c0_i32_0 : i32, i32
  }
  func.func @transform_4(%arg0: i32) -> (i32, i32) {
    %c0_i32 = arith.constant 0 : i32
    %c0_i32_0 = arith.constant 0 : i32
    %c0_i32_1 = arith.constant 0 : i32
    return %c0_i32, %c0_i32_0 : i32, i32
  }
  func.func @transform_5(%arg0: i32) -> (i32, i32) {
    %c0_i32 = arith.constant 0 : i32
    %c0_i32_0 = arith.constant 0 : i32
    %c0_i32_1 = arith.constant 0 : i32
    return %c0_i32, %c0_i32_0 : i32, i32
  }
  func.func @transform_6(%arg0: i32) -> (i32, i32) {
    %c0_i32 = arith.constant 0 : i32
    %c0_i32_0 = arith.constant 0 : i32
    %c0_i32_1 = arith.constant 0 : i32
    return %c0_i32, %c0_i32_0 : i32, i32
  }
  func.func @transform_7(%arg0: i32) -> (i32, i32) {
    %c0_i32 = arith.constant 0 : i32
    %c0_i32_0 = arith.constant 0 : i32
    %c0_i32_1 = arith.constant 0 : i32
    return %c0_i32, %c0_i32_0 : i32, i32
  }
  func.func @transform_8(%arg0: i32) -> (i32, i32) {
    %c0_i32 = arith.constant 0 : i32
    %c0_i32_0 = arith.constant 0 : i32
    return %arg0, %c0_i32 : i32, i32
  }
  func.func @transform_9(%arg0: i32) -> (i32, i32) {
    %c0_i32 = arith.constant 0 : i32
    %c0_i32_0 = arith.constant 0 : i32
    return %arg0, %c0_i32 : i32, i32
  }
}

module attributes {stable_mosaic.version = 14 : i64} {
  func.func @_combine_body(%arg0: i32, %arg1: memref<2x1000x128xf32, #tpu.memory_space<vmem>>, %arg2: memref<1000x40xf32, #tpu.memory_space<vmem>>) attributes {dimension_semantics = [#tpu.dimension_semantics<arbitrary>], iteration_bounds = array<i64: 10>, scalar_prefetch = 0 : i64, scratch_operands = 0 : i64, tpu.core_type = #tpu.core_type<tc>, window_params = [{transform_indices = @transform_0, window_bounds = array<i64: 2, 1000, 128>}, {transform_indices = @transform_1, window_bounds = array<i64: 1000, 40>}]} {
    %get3A = arith.constant 0 : index
    %get3A_0 = arith.constant 0 : index
    %get3A_1 = arith.constant 0 : index
    %get3A_2 = vector.load %arg1[%get3A, %get3A_0, %get3A_1] : memref<2x1000x128xf32, #tpu.memory_space<vmem>>, vector<1x1000x40xf32>
    %get3A_3 = vector.shape_cast %get3A_2 : vector<1x1000x40xf32> to vector<1000x40xf32>
    %get3A_4 = arith.constant 1 : index
    %get3A_5 = arith.constant 0 : index
    %get3A_6 = arith.constant 0 : index
    %get3A_7 = vector.load %arg1[%get3A_4, %get3A_5, %get3A_6] : memref<2x1000x128xf32, #tpu.memory_space<vmem>>, vector<1x1000x40xf32>
    %get3A_8 = vector.shape_cast %get3A_7 : vector<1x1000x40xf32> to vector<1000x40xf32>
    %add3A = arith.addf %get3A_3, %get3A_8 : vector<1000x40xf32>
    %swap3A = arith.constant 0 : index
    %swap3A_9 = arith.constant 0 : index
    %swap3A_10 = vector.load %arg2[%swap3A, %swap3A_9] : memref<1000x40xf32, #tpu.memory_space<vmem>>, vector<1000x40xf32>
    tpu.vector_store %arg2[%swap3A, %swap3A_9], %add3A {strides = array<i32>} : memref<1000x40xf32, #tpu.memory_space<vmem>>, vector<1000x40xf32>,
    return
  }
  func.func @transform_0(%arg0: i32) -> (i32, i32, i32) {
    %c0_i32 = arith.constant 0 : i32
    %c0_i32_0 = arith.constant 0 : i32
    %c0_i32_1 = arith.constant 0 : i32
    return %c0_i32, %arg0, %c0_i32_0 : i32, i32, i32
  }
  func.func @transform_1(%arg0: i32) -> (i32, i32) {
    %c0_i32 = arith.constant 0 : i32
    %c0_i32_0 = arith.constant 0 : i32
    return %arg0, %c0_i32 : i32, i32
  }
}

</mosaic_0001>

<sc_bundles>
// kernel: kernel.6.cloned.1.call-start
scs
__scs_entry_jumppad:
0x0: {  	(pc) =	sbr.rel $0x88, $3  }
0x1: {  	(tag) =	ssettag $0x0;
	lr =	simm.s32 $0x1  }
0x2: {  	[smem:$0x3F99] =	sst lr;
	_ =	strace $0xD0000000  }
0x3: {  	_ = 	snop  }
0x4: {  	_ = 	snop  }
0x5: {  	_ = 	snop  }
0x6: {  	_ = 	snop  }
0x7: {  	_ = 	snop  }
__scs_overlays_trampoline_lowered:
0x8: {  	[smem:$0x3FA8] =	sst s0  }
0x9: {  	[smem:$0x3FA9] =	sst s1  }
0xa: {  	[smem:$0x3FAA] =	sst s2  }
0xb: {  	[smem:$0x3FAB] =	sst s3  }
0xc: {  	[smem:$0x3FAC] =	sst s4  }
0xd: {  	[smem:$0x3FAD] =	sst s5  }
0xe: {  	[smem:$0x3FAE] =	sst s6  }
0xf: {  	[smem:$0x3FAF] =	sst s7  }
0x10: {  	[smem:$0x3FB0] =	sst s8  }
0x11: {  	[smem:$0x3FB1] =	sst s9;
	s0 =	simm.s32 @!p0 $0x0  }
0x12: {  	s1 =	sld [smem:$0x3F97];
	s0 =	simm.s32 @p0 $0x1  }
0x13: {  	[smem:$0x3FB2] =	sst s0;
	s0 =	simm.s32 @!p1 $0x0  }
0x14: {  	s2 =	sld [smem:$0x3F96];
	s0 =	simm.s32 @p1 $0x1  }
0x15: {  	[smem:$0x3FB3] =	sst s0;
	s0 =	simm.s32 @!p2 $0x0  }
0x16: {  	s3 =	sld [smem:$0x3FDB];
	s0 =	simm.s32 @p2 $0x1  }
0x17: {  	s4 =	simm.s32 $0x1BF5;
	[smem:$0x3FB5] =	sst s0  }
0x18: {  	s0 =	sld [smem:$0x3F98];
	_ =	swait.ge [sflag:s4], $0x0  }
0x19: {  	s7 =	sld [smem:$0x3F99]  }
0x1a: {  	s8 =	sadd.s32 $0xFFFFE003, lr  }
0x1b: {  	s9 =	sadd.s32 $0xFFFFFEF7, lr;
	s5 =	simm.s32 $0xFFFFFFFF;
	p2 =	slt.u32 s8, $0xFFFFF086  }
0x1c: {  	p1 =	slt.u32 s9, $0xF7A;
	s5 =	simm.s32 @!p2 $0x0  }
0x1d: {  	s5 =	simm.s32 @p1 $0x1;
	p0 =	seq.s32 s7, s2  }
0x1e: {  	s7 =	smul.u32 @!p0 $0xF7A, s2;
	p2 =	seq.s32 @!p0 s5, $0x0  }
0x1f: {  	s9 =	smul.u32 $0xF7A, s1;
	s8 =	simm.s32 @!p0 $0x1BF5;
	p2 =	por !p2, p0  }
0x20: {  	[sflag:s8] =	ssyncset.s32 @!p0 $0xFFFFF086;
	s6 =	sadd.s32 @!p0 s3, s7;
	s7 =	simm.s32 @!p0 $0x108  }
0x21: {  	s3 =	sadd.s32 s3, s9;
	s6 =	sadd.s32 @!p0 $0x88, s6;
	s7 =	simm.s32 @p2 $0x1082  }
0x22: {  	[simem:s7], [sflag:s8] =	dma.local @!p0 [hbm:s6], $0xF7A  }
0x23: {  	s9 =	sor.u32 $0xD0000000, s2;
	s6 =	simm.s32 $0x108;
	_ =	swait.ge @!p0 [sflag:s8], $0x0  }
0x24: {  	s3 =	sadd.s32 $0x88, s3;
	s6 =	simm.s32 @!p1 $0x1082;
	[sflag:s4] =	ssyncset.s32 $0xFFFFF086  }
0x25: {  	[simem:s6], [sflag:s4] =	dma.local [hbm:s3], $0xF7A  }
0x26: {  	[smem:$0x3F99] =	sst s1;
	(tag) =	ssettag s2;
	_ =	strace s9  }
0x27: {  	s1 =	sld [smem:$0x3FA9]  }
0x28: {  	s2 =	sld [smem:$0x3FAA]  }
0x29: {  	s4 =	sld [smem:$0x3FAC]  }
0x2a: {  	p0 =	seq.s32 s5, $0x0;
	s5 =	sld [smem:$0x3FAD]  }
0x2b: {  	s6 =	sld [smem:$0x3FAE]  }
0x2c: {  	s7 =	sld [smem:$0x3FAF]  }
0x2d: {  	s3 =	simm.s32 $0x108;
	s8 =	sld [smem:$0x3FB0]  }
0x2e: {  	s3 =	simm.s32 @!p0 $0x1082;
	s9 =	sld [smem:$0x3FB1]  }
0x2f: {  	lr =	sadd.s32 s0, s3;
	s0 =	sld [smem:$0x3FA8]  }
0x30: {  	s3 =	sld [smem:$0x3FAB]  }
0x31: {  	[smem:$0x3FB4] =	sst s10  }
0x32: {  	s10 =	sld [smem:$0x3FB2];
	_ =	sdelay $0x3  }
0x33: {  	p0 =	seq.s32 s10, $0x1;
	s10 =	sld [smem:$0x3FB4];
	_ =	sdelay $0x3  }
0x34: {  	[smem:$0x3FB4] =	sst s10  }
0x35: {  	s10 =	sld [smem:$0x3FB3];
	_ =	sdelay $0x3  }
0x36: {  	p1 =	seq.s32 s10, $0x1;
	s10 =	sld [smem:$0x3FB4];
	_ =	sdelay $0x3  }
0x37: {  	[smem:$0x3FB4] =	sst s10  }
0x38: {  	s10 =	sld [smem:$0x3FB5]  }
0x39: {  	_ = 	snop;
	(pc) =	sbr.ind lr, $3  }
0x3a: {  	_ = 	snop  }
0x3b: {  	_ = 	snop  }
0x3c: {  	p2 =	seq.s32 s10, $0x1;
	s10 =	sld [smem:$0x3FB4]  }
0x3d: {  	_ =	shalt  }
0x3e: {  	_ =	shalt  }
0x3f: {  	_ =	shalt  }
0x40: {  	_ =	shalt  }
0x41: {  	_ =	shalt  }
0x42: {  	_ =	shalt  }
0x43: {  	_ =	shalt  }
0x44: {  	_ =	shalt  }
0x45: {  	_ =	shalt  }
0x46: {  	_ =	shalt  }
0x47: {  	_ =	shalt  }
0x48: {  	_ =	shalt  }
0x49: {  	_ =	shalt  }
0x4a: {  	_ =	shalt  }
0x4b: {  	_ =	shalt  }
0x4c: {  	_ =	shalt  }
0x4d: {  	_ =	shalt  }
0x4e: {  	_ =	shalt  }
0x4f: {  	_ =	shalt  }
0x50: {  	_ =	shalt  }
0x51: {  	_ =	shalt  }
0x52: {  	_ =	shalt  }
0x53: {  	_ =	shalt  }
0x54: {  	_ =	shalt  }
0x55: {  	_ =	shalt  }
0x56: {  	_ =	shalt  }
0x57: {  	_ =	shalt  }
0x58: {  	_ =	shalt  }
0x59: {  	_ =	shalt  }
0x5a: {  	_ =	shalt  }
0x5b: {  	_ =	shalt  }
0x5c: {  	_ =	shalt  }
0x5d: {  	_ =	shalt  }
0x5e: {  	_ =	shalt  }
0x5f: {  	_ =	shalt  }
0x60: {  	_ =	shalt  }
0x61: {  	_ =	shalt  }
0x62: {  	_ =	shalt  }
0x63: {  	_ =	shalt  }
0x64: {  	_ =	shalt  }
0x65: {  	_ =	shalt  }
0x66: {  	_ =	shalt  }
0x67: {  	_ =	shalt  }
0x68: {  	_ =	shalt  }
0x69: {  	_ =	shalt  }
0x6a: {  	_ =	shalt  }
0x6b: {  	_ =	shalt  }
0x6c: {  	_ =	shalt  }
0x6d: {  	_ =	shalt  }
0x6e: {  	_ =	shalt  }
0x6f: {  	_ =	shalt  }
0x70: {  	_ =	shalt  }
0x71: {  	_ =	shalt  }
0x72: {  	_ =	shalt  }
0x73: {  	_ =	shalt  }
0x74: {  	_ =	shalt  }
0x75: {  	_ =	shalt  }
0x76: {  	_ =	shalt  }
0x77: {  	_ =	shalt  }
0x78: {  	_ =	shalt  }
0x79: {  	_ =	shalt  }
0x7a: {  	_ =	shalt  }
0x7b: {  	_ =	shalt  }
0x7c: {  	_ =	shalt  }
0x7d: {  	_ =	shalt  }
0x7e: {  	_ =	shalt  }
0x7f: {  	_ =	shalt  }
0x80: {  	_ =	shalt  }
0x81: {  	_ =	shalt  }
0x82: {  	_ =	shalt  }
0x83: {  	_ =	shalt  }
0x84: {  	_ =	shalt  }
0x85: {  	_ =	shalt  }
0x86: {  	_ =	shalt  }
0x87: {  	_ =	shalt  }
.Lfunc_end0:
.L_simem_size_0:
called_computation_lowered:
.L_overlay_start_0:
0x88: {  	s2 =	sld [smem:$0x3FD9]  }
0x89: {  	s3 =	sld [smem:$0x3FFE];
	_ =	sdelay $0x1  }
0x8a: {  	s1 =	srdreg.scid  }
0x8b: {  	s0 =	sand.u32 $0x1, s1  }
0x8c: {  	s17 =	sshll.u32 s0, $0xA;
	s2 =	sadd.s32 s3, s2  }
0x8d: {  	s2 =	sadd.s32 s2, s17  }
0x8e: {  	[smem:$0x3FC0] =	sst s2  }
0x8f: {  	_ = 	snop  }
0x90: {  	s2 =	sld [smem:$0x3FC9]  }
0x91: {  	s18 =	sld [smem:$0x3FD0];
	(tm) =	ssettm $0x1  }
0x92: {  	s4 =	sld [smem:$0x3FFB];
	_ =	sdelay $0x3  }
0x93: {  	_ =	strace s4  }
0x94: {  	s4 =	sld [smem:$0x3FFC];
	_ =	sdelay $0x3  }
0x95: {  	_ =	strace s4  }
0x96: {  	s4 =	sld [smem:$0x3FFD];
	_ =	sdelay $0x3  }
0x97: {  	_ =	strace s4  }
0x98: {  	_ =	strace $0x8FFFFFFF  }
0x99: {  	s19 =	sld [smem:$0x3FDB];
	_ =	sdelay $0x1  }
0x9a: {  	s5 =	simm.s32 $_scs_section_size  }
0x9b: {  	s6 =	simm.s32 $_size__tile_overlayer_lowered;
	s7 =	simm.s32 $_tile_overlayer_lowered  }
0x9c: {  	s22 =	simm.s32 $0x1BFF;
	s21 =	sshll.u32 s7, $0x1;
	s4 =	sadd.s32 s5, s19  }
0x9d: {  	s8 =	simm.s32 $0x0;
	s20 =	sshll.u32 s6, $0x1;
	s6 =	sadd.s32 s21, s4  }
0x9e: {  	[timem:s8], [sflag:s22] =	dma.local [hbm:s6], s20  }
0x9f: {  	_ =	swait.ge [sflag:s22], s20  }
0xa0: {  	s5 =	ssub.s32 $0x0, s20;
	[sflag:s22] =	ssyncset.done $0x0  }
0xa1: {  	[sflag:s22] =	ssyncadd.s32 s5;
	_ =	sdelay $0x1  }
0xa2: {  	s23 =	simm.s32 $0x1B8B  }
0xa3: {  	_ =	swait.ge [sflag:s23], $0x1  }
0xa4: {  	[sflag:s23] =	ssyncset.done $0x0  }
0xa5: {  	s25 =	simm.s32 $0x1B8E;
	s24 =	sld [smem:$0x3FFE];
	[sflag:s23] =	ssyncadd.s32 $0xFFFFFFFF  }
0xa6: {  	s26 =	simm.s32 $execute0_lowered;
	[smem:$0x3FD2] =	sst s25  }
0xa7: {  	s6 =	sshll.u32 s26, $0x1;
	_ =	strace $0x80000046;
	[dreg:$0x1] =	wrdreg $0xFFFFFFFF  }
0xa8: {  	s28 =	simm.s32 $_size_execute0_lowered;
	s4 =	sadd.s32 s4, s6;
	[dreg:$0x0] =	wrdreg $0x0  }
0xa9: {  	s6 =	sshll.u32 s28, $0x1;
	[dreg:$0x2] =	wrdreg s4  }
0xaa: {  	[dreg:$0x3] =	wrdreg s6  }
0xab: {  	[dreg:$0x4] =	wrdreg $0xC0  }
0xac: {  	_ =	task [dreg:s8], $0x5FFFF  }
0xad: {  	[dreg:$0x1] =	wrdreg $0xFFFFFFFF  }
0xae: {  	[dreg:$0x0] =	wrdreg $0x60  }
0xaf: {  	[dreg:$0x2] =	wrdreg s2  }
0xb0: {  	[dreg:$0x3] =	wrdreg s18  }
0xb1: {  	[dreg:$0x4] =	wrdreg s24  }
0xb2: {  	[dreg:$0x5] =	wrdreg $0x0  }
0xb3: {  	[dreg:$0x6] =	wrdreg $0x9  }
0xb4: {  	_ =	task.clear_ibuf [dreg:s8], $0x7FFFF;
	_ =	strace $0x90000046  }
0xb5: {  	s29 =	simm.s32 $0x9;
	_ =	strace $0x80000048  }
0xb6: {  	_ =	swait.ge [sflag:s29], $0x1  }
0xb7: {  	[sflag:s29] =	ssyncadd.s32 $0xFFFFFFFF  }
0xb8: {  	_ =	strace $0x90000048  }
0xb9: {  	_ =	sfence  }
0xba: {  	s30 =	sld [smem:$0x0];
	_ =	sdelay $0x2  }
0xbb: {  	s31 =	sshll.u32 s1, $0xD;
	s1 =	sshrl.u32 s1, $0x2  }
0xbc: {  	s3 =	sand.u32 $0x4000, s31;
	s1 =	sadd.s32 s1, s30  }
0xbd: {  	s0 =	sor.u32 s3, s0;
	s1 =	sshll.u32 s1, $0x11  }
0xbe: {  	s0 =	sor.u32 s1, s0  }
0xbf: {  	s0 =	sadd.s32 $0x8F2B, s0  }
0xc0: {  	[sflag:s0] =	ssyncadd.remote.s32 $0x1  }
0xc1: {  	_ =	sfence.sel $0xFFFF  }
0xc2: {  	[dreg:$0x0] =	wrdreg $0xFFFFFFFF;
	(pc) =	sbr.abs _section_cstart, $3  }
0xc3: {  	[dreg:$0x1] =	wrdreg $0xFFFFFFFF  }
0xc4: {  	_ =	task.clear_ibuf [dreg:s8], $0x2FFFF;
	_ =	strace $0x9FFFFFFF  }
0xc5: {  	(tm) =	ssettm $0x7FFFFFFF  }
tec
execute0_lowered:
.L_overlay_start_1:
0x0: {  	(tag) =	ssettag $0x1  }
0x1: {  	s0 =	rddreg [dreg:$0x0]  }
0x2: {  	s1 =	rddreg [dreg:$0x1]  }
0x3: {  	s2 =	rddreg [dreg:$0x2];
	s3 =	srdreg.scid  }
0x4: {  	s4 =	rddreg [dreg:$0x3];
	s12 =	stileid.u32  }
0x5: {  	s5 =	simm.s32 $0x0;
	s28 =	simm.s32 $0x4;
	s29 =	simm.s32 $0x17A00  }
0x6: {  	s30 =	simm.s32 $0x1;
	s31 =	simm.s32 $0x2;
	s8 =	smul.u32 $0x14C00, s12  }
0x7: {  	s3 =	sand.u32 $0x1, s3;
	[smem:$0x7FF] =	sst s5;
	s9 =	smul.u32 $0x53000, s12  }
0x8: {  	s6 =	sadd.s32 $0x1A00, s2;
	s16 =	sshll.u32 s12, $0x1;
	s19 =	smul.u32 $0x4E60, s12  }
0x9: {  	s21 =	sshll.u32 s12, $0x6;
	s7 =	smul.u32 $0x14C000, s3;
	s17 =	ssub.s32 $0x2, s3  }
0xa: {  	_ =	strace $0x80000047;
	s10 =	sshrl.u32 s17, $0x1;
	s18 =	sshrl.u32 s9, $0x2  }
0xb: {  	s7 =	sadd.s32 s8, s7;
	s8 =	sor.u32 s3, s16;
	s3 =	smul.u32 $0x2730, s3  }
0xc: {  	s9 =	sadd.s32 s18, s4;
	s7 =	sshrl.u32 s7, $0x3;
	s11 =	smul.u32 $0x2730, s8  }
0xd: {  	s8 =	sor.u32 $0x1C05, s21;
	s18 =	sshrl.u32 s9, $0x3;
	s21 =	simm.s32 $0x14D00  }
0xe: {  	s2 =	sadd.s32 s7, s2;
	s7 =	ssub.s32 s17, s10;
	s3 =	sadd.s32 s3, s19  }
0xf: {  	s19 =	simm.s32 $0x5;
	s20 =	sadd.s32 $0xB800, s2;
	s22 =	sshrl.u32 s11, $0x3  }
0x10: {  	s11 =	sadd.s32 $0x58, s11;
	s14 =	sadd.s32 $0x108, s3;
	s17 =	sadd.s32 $0xB0, s3  }
0x11: {  	[dreg:$0x5] =	wrdreg s20;
	s13 =	sadd.s32 s1, s22;
	s23 =	sshrl.u32 s11, $0x3  }
0x12: {  	s24 =	sadd.s32 s6, s22;
	s26 =	sshrl.u32 s14, $0x3;
	s14 =	smax.u32 s7, $0x1  }
0x13: {  	s20 =	simm.s32 $0x14C00;
	s22 =	simm.s32 $0x3;
	[dreg:$0x6] =	wrdreg s13  }
0x14: {  	[dreg:$0x7] =	wrdreg s24;
	s25 =	sadd.s32 s1, s23;
	s12 =	sadd.s32 s6, s23  }
0x15: {  	s13 =	sadd.s32 $0x5E800, s2;
	s15 =	sadd.s32 s26, s6;
	s16 =	sadd.s32 s26, s1  }
0x16: {  	s23 =	simm.s32 $0x58;
	s24 =	simm.s32 $0x14E00;
	s26 =	simm.s32 $0x14D80  }
0x17: {  	s2 =	simm.s32 $0x0;
	[dreg:$0x8] =	wrdreg s25;
	s25 =	simm.s32 $0x14C80  }
.LBB2_1:
0x18: {  	s3 =	rddreg [dreg:$0x5]  }
0x19: {  	[spmem:s18], [sflag:s8] =	dma.local [hbm:s3], $0x2980  }
0x1a: {  	_ =	swait.ge [sflag:s19], $0x2980  }
0x1b: {  	[sflag:s19] =	ssyncset.done $0x0  }
0x1c: {  	[sflag:s19] =	ssyncadd.s32 $0xFFFFD680  }
0x1d: {  	[bflag:$0x0] =	sbarrier.arrive $0xFFFF  }
0x1e: {  	s11 =	rddreg [dreg:$0x6]  }
0x1f: {  	[tilespmem:s20], [sflag:$0x3] =	stream.linear.gather [hbm4b:s11+s5], $0x58, $0x38;
	[tilespmem:$0x1A600] =	vst v63  }
0x20: {  	s7 =	rddreg [dreg:$0x7]  }
0x21: {  	[tilespmem:s21], [sflag:$0x3] =	stream.linear.gather [hbm4b:s7+s5], $0x58, $0x38;
	[tilespmem:$0x1A600] =	vst v63  }
0x22: {  	_ =	swait.ge [sflag:s22], $0x58  }
0x23: {  	[sflag:s22] =	ssyncset.done $0x0  }
0x24: {  	[sflag:s22] =	ssyncadd.s32 $0xFFFFFFA8  }
0x25: {  	_ =	swait.ge [sflag:s22], $0x58  }
0x26: {  	[sflag:s22] =	ssyncset.done $0x0  }
0x27: {  	[sflag:s22] =	ssyncadd.s32 $0xFFFFFFA8  }
0x28: {  	[tilespmem:s24], [sflag:$0x1] =	stream.indirect.gather [hbm4b:s0+s23], $0x80, s20, s23, $0xb8;
	[tilespmem:$0x1A600] =	vst v63  }
0x29: {  	s9 =	rddreg [dreg:$0x8]  }
0x2a: {  	[tilespmem:s25], [sflag:$0x4] =	stream.linear.gather [hbm4b:s9+s5], $0x58, $0x38;
	[tilespmem:$0x1A600] =	vst v63  }
0x2b: {  	_ = 	snop  }
0x2c: {  	[tilespmem:s26], [sflag:$0x4] =	stream.linear.gather [hbm4b:s12+s5], $0x58, $0x38;
	[tilespmem:$0x1A600] =	vst v63  }
0x2d: {  	_ =	swait.ge [sflag:s28], $0x58  }
0x2e: {  	[sflag:s28] =	ssyncset.done $0x0  }
0x2f: {  	[sflag:s28] =	ssyncadd.s32 $0xFFFFFFA8  }
0x30: {  	_ =	swait.ge [sflag:s28], $0x58  }
0x31: {  	[sflag:s28] =	ssyncset.done $0x0  }
0x32: {  	[sflag:s28] =	ssyncadd.s32 $0xFFFFFFA8  }
0x33: {  	[tilespmem:s29], [sflag:$0x2] =	stream.indirect.gather [hbm4b:s0+s23], $0x80, s25, s23, $0xb8;
	[tilespmem:$0x1A600] =	vst v63  }
0x34: {  	_ =	swait.ge [sflag:s30], $0x2C00  }
0x35: {  	[sflag:s30] =	ssyncset.done $0x0  }
0x36: {  	[sflag:s30] =	ssyncadd.s32 $0xFFFFD400  }
0x37: {  	[spmem:s4] =	stream.indirect.scatter.add.f32 [tilespmem:s24], [sflag:$0x5], $0x80, s21, s23, $0xb8;
	[tilespmem:$0x1A600] =	vst v63  }
0x38: {  	_ =	swait.ge [sflag:s19], $0x2C00  }
0x39: {  	s10 =	sshrl.u32 s17, $0x3;
	[sflag:s19] =	ssyncset.done $0x0  }
0x3a: {  	s7 =	sadd.s32 s1, s10;
	[sflag:s19] =	ssyncadd.s32 $0xFFFFD400  }
0x3b: {  	[tilespmem:s20], [sflag:$0x3] =	stream.linear.gather [hbm4b:s7+s5], $0x58, $0x38;
	[tilespmem:$0x1A600] =	vst v63  }
0x3c: {  	s3 =	sadd.s32 s6, s10  }
0x3d: {  	[tilespmem:s21], [sflag:$0x3] =	stream.linear.gather [hbm4b:s3+s5], $0x58, $0x38;
	[tilespmem:$0x1A600] =	vst v63  }
0x3e: {  	_ =	swait.ge [sflag:s31], $0x2C00  }
0x3f: {  	[sflag:s31] =	ssyncset.done $0x0  }
0x40: {  	[sflag:s31] =	ssyncadd.s32 $0xFFFFD400  }
0x41: {  	[spmem:s4] =	stream.indirect.scatter.add.f32 [tilespmem:s29], [sflag:$0x5], $0x80, s26, s23, $0xb8;
	[tilespmem:$0x1A600] =	vst v63  }
0x42: {  	_ =	swait.ge [sflag:s19], $0x2C00  }
0x43: {  	[sflag:s19] =	ssyncset.done $0x0  }
0x44: {  	[sflag:s19] =	ssyncadd.s32 $0xFFFFD400  }
0x45: {  	_ =	swait.ge [sflag:s22], $0x58  }
0x46: {  	[sflag:s22] =	ssyncset.done $0x0  }
0x47: {  	[sflag:s22] =	ssyncadd.s32 $0xFFFFFFA8  }
0x48: {  	_ =	swait.ge [sflag:s22], $0x58  }
0x49: {  	[sflag:s22] =	ssyncset.done $0x0  }
0x4a: {  	s11 =	sadd.s32 $0x0, s16;
	[sflag:s22] =	ssyncadd.s32 $0xFFFFFFA8  }
0x4b: {  	[tilespmem:s24], [sflag:$0x1] =	stream.indirect.gather [hbm4b:s0+s23], $0x80, s20, s23, $0xb8;
	[tilespmem:$0x1A600] =	vst v63  }
0x4c: {  	s9 =	sadd.s32 $0x0, s15;
	s7 =	sadd.s32 $0xB0, s17;
	s3 =	simm.s32 $0x16  }
0x4d: {  	[tilespmem:s25], [sflag:$0x4] =	stream.linear.gather [hbm4b:s11+s5], $0x58, $0x38;
	[tilespmem:$0x1A600] =	vst v63  }
.LBB2_2:
0x4e: {  	[tilespmem:s26], [sflag:$0x4] =	stream.linear.gather [hbm4b:s9+s5], $0x58, $0x38;
	[tilespmem:$0x1A600] =	vst v63  }
0x4f: {  	s9 =	smov.u32 s3  }
0x50: {  	p0 =	sne.s32 s3, $0x4BA;
	s3 =	sadd.s32 $0x16, s3;
	_ =	swait.ge [sflag:s28], $0x58  }
0x51: {  	[sflag:s28] =	ssyncset.done $0x0  }
0x52: {  	[sflag:s28] =	ssyncadd.s32 $0xFFFFFFA8  }
0x53: {  	_ =	swait.ge [sflag:s28], $0x58  }
0x54: {  	[sflag:s28] =	ssyncset.done $0x0  }
0x55: {  	[sflag:s28] =	ssyncadd.s32 $0xFFFFFFA8  }
0x56: {  	[tilespmem:s29], [sflag:$0x2] =	stream.indirect.gather [hbm4b:s0+s23], $0x80, s25, s23, $0xb8;
	[tilespmem:$0x1A600] =	vst v63  }
0x57: {  	_ =	swait.ge [sflag:s30], $0x2C00  }
0x58: {  	[sflag:s30] =	ssyncset.done $0x0  }
0x59: {  	[sflag:s30] =	ssyncadd.s32 $0xFFFFD400  }
0x5a: {  	[spmem:s4] =	stream.indirect.scatter.add.f32 [tilespmem:s24], [sflag:$0x5], $0x80, s21, s23, $0xb8;
	[tilespmem:$0x1A600] =	vst v63  }
0x5b: {  	_ =	swait.ge [sflag:s19], $0x2C00  }
0x5c: {  	s10 =	sshrl.u32 s7, $0x3;
	[sflag:s19] =	ssyncset.done $0x0  }
0x5d: {  	s11 =	sadd.s32 s1, s10;
	[sflag:s19] =	ssyncadd.s32 $0xFFFFD400  }
0x5e: {  	[tilespmem:s20], [sflag:$0x3] =	stream.linear.gather [hbm4b:s11+s5], $0x58, $0x38;
	[tilespmem:$0x1A600] =	vst v63  }
0x5f: {  	s10 =	sadd.s32 s6, s10  }
0x60: {  	[tilespmem:s21], [sflag:$0x3] =	stream.linear.gather [hbm4b:s10+s5], $0x58, $0x38;
	[tilespmem:$0x1A600] =	vst v63  }
0x61: {  	_ =	swait.ge [sflag:s31], $0x2C00  }
0x62: {  	[sflag:s31] =	ssyncset.done $0x0  }
0x63: {  	[sflag:s31] =	ssyncadd.s32 $0xFFFFD400  }
0x64: {  	[spmem:s4] =	stream.indirect.scatter.add.f32 [tilespmem:s29], [sflag:$0x5], $0x80, s26, s23, $0xb8;
	[tilespmem:$0x1A600] =	vst v63  }
0x65: {  	_ =	swait.ge [sflag:s19], $0x2C00  }
0x66: {  	[sflag:s19] =	ssyncset.done $0x0  }
0x67: {  	[sflag:s19] =	ssyncadd.s32 $0xFFFFD400  }
0x68: {  	_ =	swait.ge [sflag:s22], $0x58  }
0x69: {  	[sflag:s22] =	ssyncset.done $0x0  }
0x6a: {  	[sflag:s22] =	ssyncadd.s32 $0xFFFFFFA8  }
0x6b: {  	_ =	swait.ge [sflag:s22], $0x58  }
0x6c: {  	[sflag:s22] =	ssyncset.done $0x0  }
.Ltmp0:
0x6d: {  	[sflag:s22] =	ssyncadd.s32 $0xFFFFFFA8;
	(pc) =	sbr.rel @p0 .LBB2_2-.Ltmp0, $4  }
0x6e: {  	[tilespmem:s24], [sflag:$0x1] =	stream.indirect.gather [hbm4b:s0+s23], $0x80, s20, s23, $0xb8;
	[tilespmem:$0x1A600] =	vst v63  }
0x6f: {  	s10 =	sadd.s32 s9, s16  }
0x70: {  	[tilespmem:s25], [sflag:$0x4] =	stream.linear.gather [hbm4b:s10+s5], $0x58, $0x38;
	[tilespmem:$0x1A600] =	vst v63  }
0x71: {  	s7 =	sadd.s32 $0xB0, s7;
	s9 =	sadd.s32 s9, s15  }
0x72: {  	[tilespmem:s26], [sflag:$0x4] =	stream.linear.gather [hbm4b:s9+s5], $0x58, $0x38;
	[tilespmem:$0x1A600] =	vst v63  }
0x73: {  	_ =	swait.ge [sflag:s28], $0x58  }
0x74: {  	[sflag:s28] =	ssyncset.done $0x0  }
0x75: {  	[sflag:s28] =	ssyncadd.s32 $0xFFFFFFA8  }
0x76: {  	_ =	swait.ge [sflag:s28], $0x58  }
0x77: {  	[sflag:s28] =	ssyncset.done $0x0  }
0x78: {  	[sflag:s28] =	ssyncadd.s32 $0xFFFFFFA8  }
0x79: {  	[tilespmem:s29], [sflag:$0x2] =	stream.indirect.gather [hbm4b:s0+s23], $0x80, s25, s23, $0xb8;
	[tilespmem:$0x1A600] =	vst v63  }
0x7a: {  	_ =	swait.ge [sflag:s30], $0x2C00  }
0x7b: {  	[sflag:s30] =	ssyncset.done $0x0  }
0x7c: {  	[sflag:s30] =	ssyncadd.s32 $0xFFFFD400  }
0x7d: {  	[spmem:s4] =	stream.indirect.scatter.add.f32 [tilespmem:s24], [sflag:$0x5], $0x80, s21, s23, $0xb8;
	[tilespmem:$0x1A600] =	vst v63  }
0x7e: {  	_ =	swait.ge [sflag:s19], $0x2C00  }
0x7f: {  	[sflag:s19] =	ssyncset.done $0x0  }
0x80: {  	[sflag:s19] =	ssyncadd.s32 $0xFFFFD400  }
0x81: {  	_ =	swait.ge [sflag:s31], $0x2C00  }
0x82: {  	[sflag:s31] =	ssyncset.done $0x0  }
0x83: {  	[sflag:s31] =	ssyncadd.s32 $0xFFFFD400  }
0x84: {  	[spmem:s4] =	stream.indirect.scatter.add.f32 [tilespmem:s29], [sflag:$0x5], $0x80, s26, s23, $0xb8;
	[tilespmem:$0x1A600] =	vst v63  }
0x85: {  	_ =	swait.ge [sflag:s19], $0x2C00  }
0x86: {  	s2 =	sadd.s32 $0x1, s2;
	[sflag:s19] =	ssyncset.done $0x0  }
0x87: {  	p0 =	sne.s32 s2, s14;
	[sflag:s19] =	ssyncadd.s32 $0xFFFFD400  }
.Ltmp1:
0x88: {  	[bflag:$0x0] =	sbarrier.arrive $0xFFFF;
	(pc) =	sbr.rel @p0 .LBB2_1-.Ltmp1, $4  }
0x89: {  	[hbm:s13], [sflag:s8] =	dma.local [spmem:s18], $0x2980  }
0x8a: {  	_ =	swait.ge [sflag:s19], $0x2980  }
0x8b: {  	[sflag:s19] =	ssyncset.done $0x0  }
0x8c: {  	[sflag:s19] =	ssyncadd.s32 $0xFFFFD680  }
0x8d: {  	_ =	sfence.sel $0x180000  }
0x8e: {  	[bflag:$0x0] =	sbarrier.arrive $0xFFFF  }
0x8f: {  	_ =	strace $0x90000047  }
0x90: {  	s0 =	stileid.u32;
	[bflag:$0x2] =	sbarrier.arrive $0xFFFF  }
0x91: {  	p0 =	sne.s32 s0, $0x0;
	s0 =	rddreg [dreg:$0x4]  }
0x92: {  	s0 =	sadd.s32 @!p0 $0x100000, s0  }
0x93: {  	[sflag:s0] =	ssyncadd.tile.s32 @!p0 $0x1;
	_ =	shalt  }
.Lfunc_end2:
_tile_overlayer_lowered:
.L_overlay_start_2:
0x94: {  	(tag) =	ssettag $0x2  }
0x95: {  	s0 =	rddreg [dreg:$0x0];
	s2 =	stileid.u32  }
0x96: {  	s1 =	rddreg [dreg:$0x1];
	p0 =	sne.s32 s2, $0x0  }
0x97: {  	s3 =	rddreg [dreg:$0x2];
	[bflag:$0x3] =	sbarrier.arrive $0xFFFF;
	s2 =	simm.s32 @!p0 $0x1C05  }
0x98: {  	[timem:s3], [sflag:s2] =	dma.local @!p0 [hbm:s0], s1  }
0x99: {  	s0 =	simm.s32 @!p0 $0x5  }
0x9a: {  	_ =	swait.ge @!p0 [sflag:s0], s1  }
0x9b: {  	s1 =	ssub.s32 @!p0 $0x0, s1;
	[sflag:s0] =	ssyncset.done @!p0 $0x0  }
0x9c: {  	[sflag:s0] =	ssyncadd.s32 @!p0 s1  }
0x9d: {  	[bflag:$0x3] =	sbarrier.arrive $0xFFFF  }
0x9e: {  	_ =	shalt  }

// kernel: kernel.9.cloned.1.call-start
scs
__scs_entry_jumppad:
0x0: {  	(pc) =	sbr.rel $0x88, $3  }
0x1: {  	(tag) =	ssettag $0x0;
	lr =	simm.s32 $0x1  }
0x2: {  	[smem:$0x3F99] =	sst lr;
	_ =	strace $0xD0000000  }
0x3: {  	_ = 	snop  }
0x4: {  	_ = 	snop  }
0x5: {  	_ = 	snop  }
0x6: {  	_ = 	snop  }
0x7: {  	_ = 	snop  }
__scs_overlays_trampoline_lowered:
0x8: {  	[smem:$0x3FA8] =	sst s0  }
0x9: {  	[smem:$0x3FA9] =	sst s1  }
0xa: {  	[smem:$0x3FAA] =	sst s2  }
0xb: {  	[smem:$0x3FAB] =	sst s3  }
0xc: {  	[smem:$0x3FAC] =	sst s4  }
0xd: {  	[smem:$0x3FAD] =	sst s5  }
0xe: {  	[smem:$0x3FAE] =	sst s6  }
0xf: {  	[smem:$0x3FAF] =	sst s7  }
0x10: {  	[smem:$0x3FB0] =	sst s8  }
0x11: {  	[smem:$0x3FB1] =	sst s9;
	s0 =	simm.s32 @!p0 $0x0  }
0x12: {  	s1 =	sld [smem:$0x3F97];
	s0 =	simm.s32 @p0 $0x1  }
0x13: {  	[smem:$0x3FB2] =	sst s0;
	s0 =	simm.s32 @!p1 $0x0  }
0x14: {  	s2 =	sld [smem:$0x3F96];
	s0 =	simm.s32 @p1 $0x1  }
0x15: {  	[smem:$0x3FB3] =	sst s0;
	s0 =	simm.s32 @!p2 $0x0  }
0x16: {  	s3 =	sld [smem:$0x3FDB];
	s0 =	simm.s32 @p2 $0x1  }
0x17: {  	s4 =	simm.s32 $0x1BF5;
	[smem:$0x3FB5] =	sst s0  }
0x18: {  	s0 =	sld [smem:$0x3F98];
	_ =	swait.ge [sflag:s4], $0x0  }
0x19: {  	s7 =	sld [smem:$0x3F99]  }
0x1a: {  	s8 =	sadd.s32 $0xFFFFE003, lr  }
0x1b: {  	s9 =	sadd.s32 $0xFFFFFEF7, lr;
	s5 =	simm.s32 $0xFFFFFFFF;
	p2 =	slt.u32 s8, $0xFFFFF086  }
0x1c: {  	p1 =	slt.u32 s9, $0xF7A;
	s5 =	simm.s32 @!p2 $0x0  }
0x1d: {  	s5 =	simm.s32 @p1 $0x1;
	p0 =	seq.s32 s7, s2  }
0x1e: {  	s7 =	smul.u32 @!p0 $0xF7A, s2;
	p2 =	seq.s32 @!p0 s5, $0x0  }
0x1f: {  	s9 =	smul.u32 $0xF7A, s1;
	s8 =	simm.s32 @!p0 $0x1BF5;
	p2 =	por !p2, p0  }
0x20: {  	[sflag:s8] =	ssyncset.s32 @!p0 $0xFFFFF086;
	s6 =	sadd.s32 @!p0 s3, s7;
	s7 =	simm.s32 @!p0 $0x108  }
0x21: {  	s3 =	sadd.s32 s3, s9;
	s6 =	sadd.s32 @!p0 $0x88, s6;
	s7 =	simm.s32 @p2 $0x1082  }
0x22: {  	[simem:s7], [sflag:s8] =	dma.local @!p0 [hbm:s6], $0xF7A  }
0x23: {  	s9 =	sor.u32 $0xD0000000, s2;
	s6 =	simm.s32 $0x108;
	_ =	swait.ge @!p0 [sflag:s8], $0x0  }
0x24: {  	s3 =	sadd.s32 $0x88, s3;
	s6 =	simm.s32 @!p1 $0x1082;
	[sflag:s4] =	ssyncset.s32 $0xFFFFF086  }
0x25: {  	[simem:s6], [sflag:s4] =	dma.local [hbm:s3], $0xF7A  }
0x26: {  	[smem:$0x3F99] =	sst s1;
	(tag) =	ssettag s2;
	_ =	strace s9  }
0x27: {  	s1 =	sld [smem:$0x3FA9]  }
0x28: {  	s2 =	sld [smem:$0x3FAA]  }
0x29: {  	s4 =	sld [smem:$0x3FAC]  }
0x2a: {  	p0 =	seq.s32 s5, $0x0;
	s5 =	sld [smem:$0x3FAD]  }
0x2b: {  	s6 =	sld [smem:$0x3FAE]  }
0x2c: {  	s7 =	sld [smem:$0x3FAF]  }
0x2d: {  	s3 =	simm.s32 $0x108;
	s8 =	sld [smem:$0x3FB0]  }
0x2e: {  	s3 =	simm.s32 @!p0 $0x1082;
	s9 =	sld [smem:$0x3FB1]  }
0x2f: {  	lr =	sadd.s32 s0, s3;
	s0 =	sld [smem:$0x3FA8]  }
0x30: {  	s3 =	sld [smem:$0x3FAB]  }
0x31: {  	[smem:$0x3FB4] =	sst s10  }
0x32: {  	s10 =	sld [smem:$0x3FB2];
	_ =	sdelay $0x3  }
0x33: {  	p0 =	seq.s32 s10, $0x1;
	s10 =	sld [smem:$0x3FB4];
	_ =	sdelay $0x3  }
0x34: {  	[smem:$0x3FB4] =	sst s10  }
0x35: {  	s10 =	sld [smem:$0x3FB3];
	_ =	sdelay $0x3  }
0x36: {  	p1 =	seq.s32 s10, $0x1;
	s10 =	sld [smem:$0x3FB4];
	_ =	sdelay $0x3  }
0x37: {  	[smem:$0x3FB4] =	sst s10  }
0x38: {  	s10 =	sld [smem:$0x3FB5]  }
0x39: {  	_ = 	snop;
	(pc) =	sbr.ind lr, $3  }
0x3a: {  	_ = 	snop  }
0x3b: {  	_ = 	snop  }
0x3c: {  	p2 =	seq.s32 s10, $0x1;
	s10 =	sld [smem:$0x3FB4]  }
0x3d: {  	_ =	shalt  }
0x3e: {  	_ =	shalt  }
0x3f: {  	_ =	shalt  }
0x40: {  	_ =	shalt  }
0x41: {  	_ =	shalt  }
0x42: {  	_ =	shalt  }
0x43: {  	_ =	shalt  }
0x44: {  	_ =	shalt  }
0x45: {  	_ =	shalt  }
0x46: {  	_ =	shalt  }
0x47: {  	_ =	shalt  }
0x48: {  	_ =	shalt  }
0x49: {  	_ =	shalt  }
0x4a: {  	_ =	shalt  }
0x4b: {  	_ =	shalt  }
0x4c: {  	_ =	shalt  }
0x4d: {  	_ =	shalt  }
0x4e: {  	_ =	shalt  }
0x4f: {  	_ =	shalt  }
0x50: {  	_ =	shalt  }
0x51: {  	_ =	shalt  }
0x52: {  	_ =	shalt  }
0x53: {  	_ =	shalt  }
0x54: {  	_ =	shalt  }
0x55: {  	_ =	shalt  }
0x56: {  	_ =	shalt  }
0x57: {  	_ =	shalt  }
0x58: {  	_ =	shalt  }
0x59: {  	_ =	shalt  }
0x5a: {  	_ =	shalt  }
0x5b: {  	_ =	shalt  }
0x5c: {  	_ =	shalt  }
0x5d: {  	_ =	shalt  }
0x5e: {  	_ =	shalt  }
0x5f: {  	_ =	shalt  }
0x60: {  	_ =	shalt  }
0x61: {  	_ =	shalt  }
0x62: {  	_ =	shalt  }
0x63: {  	_ =	shalt  }
0x64: {  	_ =	shalt  }
0x65: {  	_ =	shalt  }
0x66: {  	_ =	shalt  }
0x67: {  	_ =	shalt  }
0x68: {  	_ =	shalt  }
0x69: {  	_ =	shalt  }
0x6a: {  	_ =	shalt  }
0x6b: {  	_ =	shalt  }
0x6c: {  	_ =	shalt  }
0x6d: {  	_ =	shalt  }
0x6e: {  	_ =	shalt  }
0x6f: {  	_ =	shalt  }
0x70: {  	_ =	shalt  }
0x71: {  	_ =	shalt  }
0x72: {  	_ =	shalt  }
0x73: {  	_ =	shalt  }
0x74: {  	_ =	shalt  }
0x75: {  	_ =	shalt  }
0x76: {  	_ =	shalt  }
0x77: {  	_ =	shalt  }
0x78: {  	_ =	shalt  }
0x79: {  	_ =	shalt  }
0x7a: {  	_ =	shalt  }
0x7b: {  	_ =	shalt  }
0x7c: {  	_ =	shalt  }
0x7d: {  	_ =	shalt  }
0x7e: {  	_ =	shalt  }
0x7f: {  	_ =	shalt  }
0x80: {  	_ =	shalt  }
0x81: {  	_ =	shalt  }
0x82: {  	_ =	shalt  }
0x83: {  	_ =	shalt  }
0x84: {  	_ =	shalt  }
0x85: {  	_ =	shalt  }
0x86: {  	_ =	shalt  }
0x87: {  	_ =	shalt  }
.Lfunc_end0:
.L_simem_size_0:
called_computation.1_lowered:
.L_overlay_start_0:
0x88: {  	s2 =	sld [smem:$0x3FD9]  }
0x89: {  	s3 =	sld [smem:$0x3FFE];
	_ =	sdelay $0x1  }
0x8a: {  	s1 =	srdreg.scid  }
0x8b: {  	s0 =	sand.u32 $0x1, s1  }
0x8c: {  	s17 =	sshll.u32 s0, $0xA;
	s2 =	sadd.s32 s3, s2  }
0x8d: {  	s2 =	sadd.s32 s2, s17  }
0x8e: {  	[smem:$0x3FC0] =	sst s2  }
0x8f: {  	_ = 	snop  }
0x90: {  	s2 =	sld [smem:$0x3FD0];
	(tm) =	ssettm $0x1  }
0x91: {  	s18 =	sld [smem:$0x3FFB];
	_ =	sdelay $0x3  }
0x92: {  	_ =	strace s18  }
0x93: {  	s3 =	sld [smem:$0x3FFC];
	_ =	sdelay $0x3  }
0x94: {  	_ =	strace s3  }
0x95: {  	s3 =	sld [smem:$0x3FFD];
	_ =	sdelay $0x3  }
0x96: {  	_ =	strace s3  }
0x97: {  	_ =	strace $0x8FFFFFFF  }
0x98: {  	s19 =	sld [smem:$0x3FDB];
	_ =	sdelay $0x1  }
0x99: {  	s4 =	simm.s32 $_scs_section_size  }
0x9a: {  	s5 =	simm.s32 $_size__tile_overlayer_lowered;
	s6 =	simm.s32 $_tile_overlayer_lowered  }
0x9b: {  	s22 =	simm.s32 $0x1BFF;
	s21 =	sshll.u32 s6, $0x1;
	s3 =	sadd.s32 s4, s19  }
0x9c: {  	s7 =	simm.s32 $0x0;
	s20 =	sshll.u32 s5, $0x1;
	s5 =	sadd.s32 s21, s3  }
0x9d: {  	[timem:s7], [sflag:s22] =	dma.local [hbm:s5], s20  }
0x9e: {  	_ =	swait.ge [sflag:s22], s20  }
0x9f: {  	s4 =	ssub.s32 $0x0, s20;
	[sflag:s22] =	ssyncset.done $0x0  }
0xa0: {  	[sflag:s22] =	ssyncadd.s32 s4;
	_ =	sdelay $0x1  }
0xa1: {  	s23 =	simm.s32 $0x1B8B  }
0xa2: {  	_ =	swait.ge [sflag:s23], $0x1  }
0xa3: {  	[sflag:s23] =	ssyncset.done $0x0  }
0xa4: {  	s25 =	simm.s32 $0x1B8E;
	s24 =	sld [smem:$0x3FFE];
	[sflag:s23] =	ssyncadd.s32 $0xFFFFFFFF  }
0xa5: {  	s26 =	simm.s32 $execute0_lowered;
	[smem:$0x3FD2] =	sst s25  }
0xa6: {  	s5 =	sshll.u32 s26, $0x1;
	_ =	strace $0x80000049;
	[dreg:$0x1] =	wrdreg $0xFFFFFFFF  }
0xa7: {  	s28 =	simm.s32 $_size_execute0_lowered;
	s3 =	sadd.s32 s3, s5;
	[dreg:$0x0] =	wrdreg $0x0  }
0xa8: {  	s5 =	sshll.u32 s28, $0x1;
	[dreg:$0x2] =	wrdreg s3  }
0xa9: {  	[dreg:$0x3] =	wrdreg s5  }
0xaa: {  	[dreg:$0x4] =	wrdreg $0xC0  }
0xab: {  	_ =	task [dreg:s7], $0x5FFFF  }
0xac: {  	[dreg:$0x1] =	wrdreg $0xFFFFFFFF  }
0xad: {  	[dreg:$0x0] =	wrdreg $0x60  }
0xae: {  	[dreg:$0x2] =	wrdreg s24  }
0xaf: {  	[dreg:$0x3] =	wrdreg s2  }
0xb0: {  	[dreg:$0x4] =	wrdreg $0x0  }
0xb1: {  	[dreg:$0x5] =	wrdreg $0x9  }
0xb2: {  	_ =	task.clear_ibuf [dreg:s7], $0x6FFFF;
	_ =	strace $0x90000049  }
0xb3: {  	s29 =	simm.s32 $0x9;
	_ =	strace $0x8000004B  }
0xb4: {  	_ =	swait.ge [sflag:s29], $0x1  }
0xb5: {  	[sflag:s29] =	ssyncadd.s32 $0xFFFFFFFF  }
0xb6: {  	_ =	strace $0x9000004B  }
0xb7: {  	_ =	sfence  }
0xb8: {  	s30 =	sld [smem:$0x0];
	_ =	sdelay $0x2  }
0xb9: {  	s31 =	sshll.u32 s1, $0xD;
	s1 =	sshrl.u32 s1, $0x2  }
0xba: {  	s3 =	sand.u32 $0x4000, s31;
	s1 =	sadd.s32 s1, s30  }
0xbb: {  	s0 =	sor.u32 s3, s0;
	s1 =	sshll.u32 s1, $0x11  }
0xbc: {  	s0 =	sor.u32 s1, s0  }
0xbd: {  	s0 =	sadd.s32 $0x8F2B, s0  }
0xbe: {  	[sflag:s0] =	ssyncadd.remote.s32 $0x1  }
0xbf: {  	_ =	sfence.sel $0xFFFF  }
0xc0: {  	[dreg:$0x0] =	wrdreg $0xFFFFFFFF;
	(pc) =	sbr.abs _section_cstart, $3  }
0xc1: {  	[dreg:$0x1] =	wrdreg $0xFFFFFFFF  }
0xc2: {  	_ =	task.clear_ibuf [dreg:s7], $0x2FFFF;
	_ =	strace $0x9FFFFFFF  }
0xc3: {  	(tm) =	ssettm $0x7FFFFFFF  }
tec
execute0_lowered:
.L_overlay_start_1:
0x0: {  	(tag) =	ssettag $0x1  }
0x1: {  	s0 =	rddreg [dreg:$0x0]  }
0x2: {  	s1 =	rddreg [dreg:$0x1]  }
0x3: {  	s2 =	rddreg [dreg:$0x2]  }
0x4: {  	s3 =	srdreg.scid;
	s4 =	simm.s32 $0x0;
	s12 =	stileid.u32  }
0x5: {  	s28 =	simm.s32 $0x4;
	s29 =	simm.s32 $0x17A00;
	s30 =	simm.s32 $0x1  }
0x6: {  	s31 =	simm.s32 $0x2;
	s3 =	sand.u32 $0x1, s3;
	s8 =	smul.u32 $0x14C00, s12  }
0x7: {  	[smem:$0x7FF] =	sst s4;
	s5 =	sadd.s32 $0xB800, s0;
	s9 =	smul.u32 $0x53000, s12  }
0x8: {  	s6 =	sadd.s32 $0x1A00, s0;
	s16 =	sshll.u32 s12, $0x1;
	s19 =	smul.u32 $0x4E60, s12  }
0x9: {  	s21 =	sshll.u32 s12, $0x6;
	s7 =	smul.u32 $0x14C000, s3;
	s17 =	ssub.s32 $0x2, s3  }
0xa: {  	_ =	strace $0x8000004A;
	s10 =	sshrl.u32 s17, $0x1;
	s18 =	sshrl.u32 s9, $0x2  }
0xb: {  	s7 =	sadd.s32 s8, s7;
	s8 =	sor.u32 s3, s16;
	s3 =	smul.u32 $0x2730, s3  }
0xc: {  	s9 =	sadd.s32 s18, s2;
	s7 =	sshrl.u32 s7, $0x3;
	s11 =	smul.u32 $0x2730, s8  }
0xd: {  	s8 =	sor.u32 $0x1C05, s21;
	s18 =	sshrl.u32 s9, $0x3;
	s21 =	simm.s32 $0x14D00  }
0xe: {  	s0 =	sadd.s32 s7, s0;
	s7 =	ssub.s32 s17, s10;
	s3 =	sadd.s32 s3, s19  }
0xf: {  	s19 =	simm.s32 $0x5;
	s20 =	sadd.s32 $0x32A00, s0;
	s22 =	sshrl.u32 s11, $0x3  }
0x10: {  	s11 =	sadd.s32 $0x58, s11;
	s14 =	sadd.s32 $0x108, s3;
	s17 =	sadd.s32 $0xB0, s3  }
0x11: {  	[dreg:$0x4] =	wrdreg s20;
	s13 =	sadd.s32 s1, s22;
	s23 =	sshrl.u32 s11, $0x3  }
0x12: {  	s24 =	sadd.s32 s6, s22;
	s26 =	sshrl.u32 s14, $0x3;
	s14 =	smax.u32 s7, $0x1  }
0x13: {  	s20 =	simm.s32 $0x14C00;
	s22 =	simm.s32 $0x3;
	[dreg:$0x5] =	wrdreg s13  }
0x14: {  	[dreg:$0x6] =	wrdreg s24;
	s25 =	sadd.s32 s1, s23;
	s12 =	sadd.s32 s6, s23  }
0x15: {  	s13 =	sadd.s32 $0x85A00, s0;
	s15 =	sadd.s32 s26, s6;
	s16 =	sadd.s32 s26, s1  }
0x16: {  	s23 =	simm.s32 $0x58;
	s24 =	simm.s32 $0x14E00;
	s26 =	simm.s32 $0x14D80  }
0x17: {  	s0 =	simm.s32 $0x0;
	[dreg:$0x7] =	wrdreg s25;
	s25 =	simm.s32 $0x14C80  }
.LBB2_1:
0x18: {  	s3 =	rddreg [dreg:$0x4]  }
0x19: {  	[spmem:s18], [sflag:s8] =	dma.local [hbm:s3], $0x2980  }
0x1a: {  	_ =	swait.ge [sflag:s19], $0x2980  }
0x1b: {  	[sflag:s19] =	ssyncset.done $0x0  }
0x1c: {  	[sflag:s19] =	ssyncadd.s32 $0xFFFFD680  }
0x1d: {  	[bflag:$0x0] =	sbarrier.arrive $0xFFFF  }
0x1e: {  	s11 =	rddreg [dreg:$0x5]  }
0x1f: {  	[tilespmem:s20], [sflag:$0x3] =	stream.linear.gather [hbm4b:s11+s4], $0x58, $0x38;
	[tilespmem:$0x1A600] =	vst v63  }
0x20: {  	s7 =	rddreg [dreg:$0x6]  }
0x21: {  	[tilespmem:s21], [sflag:$0x3] =	stream.linear.gather [hbm4b:s7+s4], $0x58, $0x38;
	[tilespmem:$0x1A600] =	vst v63  }
0x22: {  	_ =	swait.ge [sflag:s22], $0x58  }
0x23: {  	[sflag:s22] =	ssyncset.done $0x0  }
0x24: {  	[sflag:s22] =	ssyncadd.s32 $0xFFFFFFA8  }
0x25: {  	_ =	swait.ge [sflag:s22], $0x58  }
0x26: {  	[sflag:s22] =	ssyncset.done $0x0  }
0x27: {  	[sflag:s22] =	ssyncadd.s32 $0xFFFFFFA8  }
0x28: {  	[tilespmem:s24], [sflag:$0x1] =	stream.indirect.gather [hbm4b:s5+s23], $0x80, s20, s23, $0xb8;
	[tilespmem:$0x1A600] =	vst v63  }
0x29: {  	s9 =	rddreg [dreg:$0x7]  }
0x2a: {  	[tilespmem:s25], [sflag:$0x4] =	stream.linear.gather [hbm4b:s9+s4], $0x58, $0x38;
	[tilespmem:$0x1A600] =	vst v63  }
0x2b: {  	_ = 	snop  }
0x2c: {  	[tilespmem:s26], [sflag:$0x4] =	stream.linear.gather [hbm4b:s12+s4], $0x58, $0x38;
	[tilespmem:$0x1A600] =	vst v63  }
0x2d: {  	_ =	swait.ge [sflag:s28], $0x58  }
0x2e: {  	[sflag:s28] =	ssyncset.done $0x0  }
0x2f: {  	[sflag:s28] =	ssyncadd.s32 $0xFFFFFFA8  }
0x30: {  	_ =	swait.ge [sflag:s28], $0x58  }
0x31: {  	[sflag:s28] =	ssyncset.done $0x0  }
0x32: {  	[sflag:s28] =	ssyncadd.s32 $0xFFFFFFA8  }
0x33: {  	[tilespmem:s29], [sflag:$0x2] =	stream.indirect.gather [hbm4b:s5+s23], $0x80, s25, s23, $0xb8;
	[tilespmem:$0x1A600] =	vst v63  }
0x34: {  	_ =	swait.ge [sflag:s30], $0x2C00  }
0x35: {  	[sflag:s30] =	ssyncset.done $0x0  }
0x36: {  	[sflag:s30] =	ssyncadd.s32 $0xFFFFD400  }
0x37: {  	[spmem:s2] =	stream.indirect.scatter.add.f32 [tilespmem:s24], [sflag:$0x5], $0x80, s21, s23, $0xb8;
	[tilespmem:$0x1A600] =	vst v63  }
0x38: {  	_ =	swait.ge [sflag:s19], $0x2C00  }
0x39: {  	s10 =	sshrl.u32 s17, $0x3;
	[sflag:s19] =	ssyncset.done $0x0  }
0x3a: {  	s7 =	sadd.s32 s1, s10;
	[sflag:s19] =	ssyncadd.s32 $0xFFFFD400  }
0x3b: {  	[tilespmem:s20], [sflag:$0x3] =	stream.linear.gather [hbm4b:s7+s4], $0x58, $0x38;
	[tilespmem:$0x1A600] =	vst v63  }
0x3c: {  	s3 =	sadd.s32 s6, s10  }
0x3d: {  	[tilespmem:s21], [sflag:$0x3] =	stream.linear.gather [hbm4b:s3+s4], $0x58, $0x38;
	[tilespmem:$0x1A600] =	vst v63  }
0x3e: {  	_ =	swait.ge [sflag:s31], $0x2C00  }
0x3f: {  	[sflag:s31] =	ssyncset.done $0x0  }
0x40: {  	[sflag:s31] =	ssyncadd.s32 $0xFFFFD400  }
0x41: {  	[spmem:s2] =	stream.indirect.scatter.add.f32 [tilespmem:s29], [sflag:$0x5], $0x80, s26, s23, $0xb8;
	[tilespmem:$0x1A600] =	vst v63  }
0x42: {  	_ =	swait.ge [sflag:s19], $0x2C00  }
0x43: {  	[sflag:s19] =	ssyncset.done $0x0  }
0x44: {  	[sflag:s19] =	ssyncadd.s32 $0xFFFFD400  }
0x45: {  	_ =	swait.ge [sflag:s22], $0x58  }
0x46: {  	[sflag:s22] =	ssyncset.done $0x0  }
0x47: {  	[sflag:s22] =	ssyncadd.s32 $0xFFFFFFA8  }
0x48: {  	_ =	swait.ge [sflag:s22], $0x58  }
0x49: {  	[sflag:s22] =	ssyncset.done $0x0  }
0x4a: {  	s11 =	sadd.s32 $0x0, s16;
	[sflag:s22] =	ssyncadd.s32 $0xFFFFFFA8  }
0x4b: {  	[tilespmem:s24], [sflag:$0x1] =	stream.indirect.gather [hbm4b:s5+s23], $0x80, s20, s23, $0xb8;
	[tilespmem:$0x1A600] =	vst v63  }
0x4c: {  	s9 =	sadd.s32 $0x0, s15;
	s7 =	sadd.s32 $0xB0, s17;
	s3 =	simm.s32 $0x16  }
0x4d: {  	[tilespmem:s25], [sflag:$0x4] =	stream.linear.gather [hbm4b:s11+s4], $0x58, $0x38;
	[tilespmem:$0x1A600] =	vst v63  }
.LBB2_2:
0x4e: {  	[tilespmem:s26], [sflag:$0x4] =	stream.linear.gather [hbm4b:s9+s4], $0x58, $0x38;
	[tilespmem:$0x1A600] =	vst v63  }
0x4f: {  	s9 =	smov.u32 s3  }
0x50: {  	p0 =	sne.s32 s3, $0x4BA;
	s3 =	sadd.s32 $0x16, s3;
	_ =	swait.ge [sflag:s28], $0x58  }
0x51: {  	[sflag:s28] =	ssyncset.done $0x0  }
0x52: {  	[sflag:s28] =	ssyncadd.s32 $0xFFFFFFA8  }
0x53: {  	_ =	swait.ge [sflag:s28], $0x58  }
0x54: {  	[sflag:s28] =	ssyncset.done $0x0  }
0x55: {  	[sflag:s28] =	ssyncadd.s32 $0xFFFFFFA8  }
0x56: {  	[tilespmem:s29], [sflag:$0x2] =	stream.indirect.gather [hbm4b:s5+s23], $0x80, s25, s23, $0xb8;
	[tilespmem:$0x1A600] =	vst v63  }
0x57: {  	_ =	swait.ge [sflag:s30], $0x2C00  }
0x58: {  	[sflag:s30] =	ssyncset.done $0x0  }
0x59: {  	[sflag:s30] =	ssyncadd.s32 $0xFFFFD400  }
0x5a: {  	[spmem:s2] =	stream.indirect.scatter.add.f32 [tilespmem:s24], [sflag:$0x5], $0x80, s21, s23, $0xb8;
	[tilespmem:$0x1A600] =	vst v63  }
0x5b: {  	_ =	swait.ge [sflag:s19], $0x2C00  }
0x5c: {  	s10 =	sshrl.u32 s7, $0x3;
	[sflag:s19] =	ssyncset.done $0x0  }
0x5d: {  	s11 =	sadd.s32 s1, s10;
	[sflag:s19] =	ssyncadd.s32 $0xFFFFD400  }
0x5e: {  	[tilespmem:s20], [sflag:$0x3] =	stream.linear.gather [hbm4b:s11+s4], $0x58, $0x38;
	[tilespmem:$0x1A600] =	vst v63  }
0x5f: {  	s10 =	sadd.s32 s6, s10  }
0x60: {  	[tilespmem:s21], [sflag:$0x3] =	stream.linear.gather [hbm4b:s10+s4], $0x58, $0x38;
	[tilespmem:$0x1A600] =	vst v63  }
0x61: {  	_ =	swait.ge [sflag:s31], $0x2C00  }
0x62: {  	[sflag:s31] =	ssyncset.done $0x0  }
0x63: {  	[sflag:s31] =	ssyncadd.s32 $0xFFFFD400  }
0x64: {  	[spmem:s2] =	stream.indirect.scatter.add.f32 [tilespmem:s29], [sflag:$0x5], $0x80, s26, s23, $0xb8;
	[tilespmem:$0x1A600] =	vst v63  }
0x65: {  	_ =	swait.ge [sflag:s19], $0x2C00  }
0x66: {  	[sflag:s19] =	ssyncset.done $0x0  }
0x67: {  	[sflag:s19] =	ssyncadd.s32 $0xFFFFD400  }
0x68: {  	_ =	swait.ge [sflag:s22], $0x58  }
0x69: {  	[sflag:s22] =	ssyncset.done $0x0  }
0x6a: {  	[sflag:s22] =	ssyncadd.s32 $0xFFFFFFA8  }
0x6b: {  	_ =	swait.ge [sflag:s22], $0x58  }
0x6c: {  	[sflag:s22] =	ssyncset.done $0x0  }
.Ltmp0:
0x6d: {  	[sflag:s22] =	ssyncadd.s32 $0xFFFFFFA8;
	(pc) =	sbr.rel @p0 .LBB2_2-.Ltmp0, $4  }
0x6e: {  	[tilespmem:s24], [sflag:$0x1] =	stream.indirect.gather [hbm4b:s5+s23], $0x80, s20, s23, $0xb8;
	[tilespmem:$0x1A600] =	vst v63  }
0x6f: {  	s10 =	sadd.s32 s9, s16  }
0x70: {  	[tilespmem:s25], [sflag:$0x4] =	stream.linear.gather [hbm4b:s10+s4], $0x58, $0x38;
	[tilespmem:$0x1A600] =	vst v63  }
0x71: {  	s7 =	sadd.s32 $0xB0, s7;
	s9 =	sadd.s32 s9, s15  }
0x72: {  	[tilespmem:s26], [sflag:$0x4] =	stream.linear.gather [hbm4b:s9+s4], $0x58, $0x38;
	[tilespmem:$0x1A600] =	vst v63  }
0x73: {  	_ =	swait.ge [sflag:s28], $0x58  }
0x74: {  	[sflag:s28] =	ssyncset.done $0x0  }
0x75: {  	[sflag:s28] =	ssyncadd.s32 $0xFFFFFFA8  }
0x76: {  	_ =	swait.ge [sflag:s28], $0x58  }
0x77: {  	[sflag:s28] =	ssyncset.done $0x0  }
0x78: {  	[sflag:s28] =	ssyncadd.s32 $0xFFFFFFA8  }
0x79: {  	[tilespmem:s29], [sflag:$0x2] =	stream.indirect.gather [hbm4b:s5+s23], $0x80, s25, s23, $0xb8;
	[tilespmem:$0x1A600] =	vst v63  }
0x7a: {  	_ =	swait.ge [sflag:s30], $0x2C00  }
0x7b: {  	[sflag:s30] =	ssyncset.done $0x0  }
0x7c: {  	[sflag:s30] =	ssyncadd.s32 $0xFFFFD400  }
0x7d: {  	[spmem:s2] =	stream.indirect.scatter.add.f32 [tilespmem:s24], [sflag:$0x5], $0x80, s21, s23, $0xb8;
	[tilespmem:$0x1A600] =	vst v63  }
0x7e: {  	_ =	swait.ge [sflag:s19], $0x2C00  }
0x7f: {  	[sflag:s19] =	ssyncset.done $0x0  }
0x80: {  	[sflag:s19] =	ssyncadd.s32 $0xFFFFD400  }
0x81: {  	_ =	swait.ge [sflag:s31], $0x2C00  }
0x82: {  	[sflag:s31] =	ssyncset.done $0x0  }
0x83: {  	[sflag:s31] =	ssyncadd.s32 $0xFFFFD400  }
0x84: {  	[spmem:s2] =	stream.indirect.scatter.add.f32 [tilespmem:s29], [sflag:$0x5], $0x80, s26, s23, $0xb8;
	[tilespmem:$0x1A600] =	vst v63  }
0x85: {  	_ =	swait.ge [sflag:s19], $0x2C00  }
0x86: {  	s0 =	sadd.s32 $0x1, s0;
	[sflag:s19] =	ssyncset.done $0x0  }
0x87: {  	p0 =	sne.s32 s0, s14;
	[sflag:s19] =	ssyncadd.s32 $0xFFFFD400  }
.Ltmp1:
0x88: {  	[bflag:$0x0] =	sbarrier.arrive $0xFFFF;
	(pc) =	sbr.rel @p0 .LBB2_1-.Ltmp1, $4  }
0x89: {  	[hbm:s13], [sflag:s8] =	dma.local [spmem:s18], $0x2980  }
0x8a: {  	_ =	swait.ge [sflag:s19], $0x2980  }
0x8b: {  	[sflag:s19] =	ssyncset.done $0x0  }
0x8c: {  	[sflag:s19] =	ssyncadd.s32 $0xFFFFD680  }
0x8d: {  	_ =	sfence.sel $0x180000  }
0x8e: {  	[bflag:$0x0] =	sbarrier.arrive $0xFFFF  }
0x8f: {  	_ =	strace $0x9000004A  }
0x90: {  	s0 =	stileid.u32;
	[bflag:$0x2] =	sbarrier.arrive $0xFFFF  }
0x91: {  	p0 =	sne.s32 s0, $0x0;
	s0 =	rddreg [dreg:$0x3]  }
0x92: {  	s0 =	sadd.s32 @!p0 $0x100000, s0  }
0x93: {  	[sflag:s0] =	ssyncadd.tile.s32 @!p0 $0x1;
	_ =	shalt  }
.Lfunc_end2:
_tile_overlayer_lowered:
.L_overlay_start_2:
0x94: {  	(tag) =	ssettag $0x2  }
0x95: {  	s0 =	rddreg [dreg:$0x0];
	s2 =	stileid.u32  }
0x96: {  	s1 =	rddreg [dreg:$0x1];
	p0 =	sne.s32 s2, $0x0  }
0x97: {  	s3 =	rddreg [dreg:$0x2];
	[bflag:$0x3] =	sbarrier.arrive $0xFFFF;
	s2 =	simm.s32 @!p0 $0x1C05  }
0x98: {  	[timem:s3], [sflag:s2] =	dma.local @!p0 [hbm:s0], s1  }
0x99: {  	s0 =	simm.s32 @!p0 $0x5  }
0x9a: {  	_ =	swait.ge @!p0 [sflag:s0], s1  }
0x9b: {  	s1 =	ssub.s32 @!p0 $0x0, s1;
	[sflag:s0] =	ssyncset.done @!p0 $0x0  }
0x9c: {  	[sflag:s0] =	ssyncadd.s32 @!p0 s1  }
0x9d: {  	[bflag:$0x3] =	sbarrier.arrive $0xFFFF  }
0x9e: {  	_ =	shalt  }

</sc_bundles>
